<compile_context>
chip_gen: v7x
topology: tpu7x:2x2x1
jax: 0.10.2.dev20260603
libtpu: 0.0.44.dev20260713+nightly
codegen_flags: <defaults>
</compile_context>

<pallas_src>
import functools

import jax
import jax.numpy as jnp
from jax import lax
from jax.experimental import pallas as pl
from jax.experimental.pallas import tpu as pltpu
from jax.experimental.pallas import tpu_sc as plsc

EMB = 128
LANES = 16
NVEC = EMB // LANES
NC, NS = 2, 16
NW = NC * NS
EPS = 1e-12
MAGIC = 0x5F3759DF


def _sc_body(rows_w, seq_w, ids_hbm, word_hbm, pos_hbm, tt_hbm, gamma_hbm,
             beta_hbm, out_hbm, idx_v, rows_v, pos_v, tt_v, g_v, b_v, gsem):
    wid = lax.axis_index("s") * NC + lax.axis_index("c")
    idx_chunks = rows_w // 128

    pltpu.sync_copy(ids_hbm.at[pl.ds(wid * idx_chunks, idx_chunks)], idx_v)

    cps = [
        pltpu.async_copy(word_hbm.at[idx_v.at[t]],
                         rows_v.at[pl.ds(t * 128, 128)], gsem)
        for t in range(idx_chunks)
    ]
    pos_base = (wid % (seq_w // rows_w)) * rows_w if seq_w > rows_w else 0
    pltpu.sync_copy(pos_hbm.at[pl.ds(pos_base, rows_w)], pos_v)
    pltpu.sync_copy(tt_hbm.at[0], tt_v)
    pltpu.sync_copy(gamma_hbm, g_v)
    pltpu.sync_copy(beta_hbm, b_v)
    for c in cps:
        c.wait()

    tt = [tt_v[pl.ds(j * LANES, LANES)] for j in range(NVEC)]
    gm = [g_v[pl.ds(j * LANES, LANES)] for j in range(NVEC)]
    bt = [b_v[pl.ds(j * LANES, LANES)] for j in range(NVEC)]

    lane = lax.iota(jnp.int32, LANES)
    bfly = [lane ^ k for k in (8, 4, 2, 1)]

    def _allsum(x):
        for idx in bfly:
            x = x + x.at[idx].get(mode="promise_in_bounds")
        return x

    def row(i, carry):
        xs = []
        s1 = jnp.zeros((LANES,), jnp.float32)
        s2 = jnp.zeros((LANES,), jnp.float32)
        for j in range(NVEC):
            w = rows_v[i, pl.ds(j * LANES, LANES)]
            p = pos_v[i, pl.ds(j * LANES, LANES)]
            x = (w + p) + tt[j]
            xs.append(x)
            s1 = s1 + x
            s2 = s2 + x * x
        mu = _allsum(s1) * (1.0 / EMB)
        var = _allsum(s2) * (1.0 / EMB) - mu * mu + EPS
        bits = lax.bitcast_convert_type(var, jnp.int32)
        r = lax.bitcast_convert_type(MAGIC - (bits >> 1), jnp.float32)
        for _ in range(3):
            r = r * (1.5 - 0.5 * var * r * r)
        for j in range(NVEC):
            rows_v[i, pl.ds(j * LANES, LANES)] = (xs[j] - mu) * r * gm[j] + bt[j]
        return carry

    lax.fori_loop(0, rows_w, row, None)
    pltpu.sync_copy(rows_v, out_hbm.at[pl.ds(wid * rows_w, rows_w)])


def kernel(input_ids, word_embeddings, position_embeddings,
           token_type_embeddings, gamma, beta):
    batch, seq = input_ids.shape
    total = batch * seq
    rows_w = total // NW
    idx_chunks = rows_w // 128
    ids2d = input_ids.reshape(total // 128, 128).astype(jnp.int32)

    mesh = plsc.VectorSubcoreMesh(core_axis_name="c", subcore_axis_name="s")
    call = pl.kernel(
        functools.partial(_sc_body, rows_w, seq),
        out_type=jax.ShapeDtypeStruct((total, EMB), jnp.float32),
        mesh=mesh,
        scratch_types=[
            pltpu.VMEM((idx_chunks, 128), jnp.int32),
            pltpu.VMEM((rows_w, EMB), jnp.float32),
            pltpu.VMEM((rows_w, EMB), jnp.float32),
            pltpu.VMEM((EMB,), jnp.float32),
            pltpu.VMEM((EMB,), jnp.float32),
            pltpu.VMEM((EMB,), jnp.float32),
            pltpu.SemaphoreType.DMA,
        ],
    )
    out = call(ids2d, word_embeddings, position_embeddings,
               token_type_embeddings, gamma, beta)
    return out.reshape(batch, seq, EMB)

# --- scband reference (transcript-rebuilt; emitter-appended) ---
"""Pipeline reference for scband-albert-embeddings-59596966199830 (READ-ONLY COPY).

The authoritative reference and input builder live on the scoring server;
editing this copy changes nothing except your own understanding.
"""

import jax, jax.numpy as jnp
import numpy as np

VOCAB = 30000
EMB = 128
MAX_POS = 2048
TYPE_VOCAB = 2
EPS = 1e-12
B, S = 4, 2048


def setup_inputs(seed: int = 0) -> dict:
    key = jax.random.key(seed)
    k1, k2, k3, k4 = jax.random.split(key, 4)
    input_ids = jax.random.randint(k1, (B, S), 0, VOCAB, dtype=jnp.int64) if jax.config.jax_enable_x64 else jax.random.randint(k1, (B, S), 0, VOCAB, dtype=jnp.int32)
    word_embeddings = jax.random.normal(k2, (VOCAB, EMB), dtype=jnp.float32) * 0.02
    position_embeddings = jax.random.normal(k3, (MAX_POS, EMB), dtype=jnp.float32) * 0.02
    token_type_embeddings = jax.random.normal(k4, (TYPE_VOCAB, EMB), dtype=jnp.float32) * 0.02
    gamma = jnp.ones((EMB,), dtype=jnp.float32)
    beta = jnp.zeros((EMB,), dtype=jnp.float32)
    return {
        "input_ids": input_ids,
        "word_embeddings": word_embeddings,
        "position_embeddings": position_embeddings,
        "token_type_embeddings": token_type_embeddings,
        "gamma": gamma,
        "beta": beta,
    }


def _layer_norm(x, gamma, beta, eps):
    mean = jnp.mean(x, axis=-1, keepdims=True)
    var = jnp.mean(jnp.square(x - mean), axis=-1, keepdims=True)
    return (x - mean) / jnp.sqrt(var + eps) * gamma + beta


def reference(input_ids, word_embeddings, position_embeddings, token_type_embeddings, gamma, beta):
    batch, seq_length = input_ids.shape
    position_ids = jnp.arange(seq_length, dtype=jnp.int32)
    token_type_ids = jnp.zeros((batch, seq_length), dtype=jnp.int32)
    inputs_embeds = jnp.take(word_embeddings, input_ids, axis=0)
    token_type_emb = jnp.take(token_type_embeddings, token_type_ids, axis=0)
    embeddings = inputs_embeds + token_type_emb
    pos_emb = jnp.take(position_embeddings, position_ids, axis=0)[None, :, :]
    embeddings = embeddings + pos_emb
    embeddings = _layer_norm(embeddings, gamma, beta, EPS)
    # dropout p=0 / eval mode -> identity
    return embeddings

if __name__ == "__main__":
    import jax
    _d = setup_inputs()
    print(jax.jit(kernel)(*tuple(_d.values())))

</pallas_src>

<mosaic_0001>
#map = affine_map<(d0, d1) -> (0, 0)>
#map1 = affine_map<(d0, d1) -> (0)>
module attributes {stable_mosaic.version = 14 : i64} {
  func.func @_sc_body(%arg0: i32, %arg1: i32, %arg2: memref<64x128xi32, #tpu.memory_space<hbm>>, %arg3: memref<30000x128xf32, #tpu.memory_space<hbm>>, %arg4: memref<2048x128xf32, #tpu.memory_space<hbm>>, %arg5: memref<2x128xf32, #tpu.memory_space<hbm>>, %arg6: memref<128xf32, #tpu.memory_space<hbm>>, %arg7: memref<128xf32, #tpu.memory_space<hbm>>, %arg8: memref<8192x128xf32, #tpu.memory_space<hbm>>, %arg9: memref<2x128xi32, #tpu.memory_space<vmem>>, %arg10: memref<256x128xf32, #tpu.memory_space<vmem>>, %arg11: memref<256x128xf32, #tpu.memory_space<vmem>>, %arg12: memref<128xf32, #tpu.memory_space<vmem>>, %arg13: memref<128xf32, #tpu.memory_space<vmem>>, %arg14: memref<128xf32, #tpu.memory_space<vmem>>, %arg15: memref<!tpu.dma_semaphore, #tpu.memory_space<semaphore_mem>>) attributes {dimension_semantics = [#tpu.dimension_semantics<core_parallel>, #tpu.dimension_semantics<subcore_parallel>], iteration_bounds = array<i64: 2, 16>, scalar_prefetch = 0 : i64, scratch_operands = 7 : i64, tpu.core_type = #tpu.core_type<sc_vector_subcore>, window_params = [{transform_indices = #map}, {transform_indices = #map}, {transform_indices = #map}, {transform_indices = #map}, {transform_indices = #map1}, {transform_indices = #map1}, {transform_indices = #map}]} {
    %mul3A = arith.constant 2 : i32
    %mul3A_0 = arith.muli %arg1, %mul3A : i32
    %add3A = arith.addi %mul3A_0, %arg0 : i32
    %mul3A_1 = arith.constant 2 : i32
    %mul3A_2 = arith.muli %add3A, %mul3A_1 : i32
    "tpu.region"() ({
      %run_scoped3A_140 = tpu.sem_alloc : memref<!tpu.dma_semaphore, #tpu.memory_space<semaphore_mem>>
      %dma_start3A_141 = arith.constant 0 : i32
      %dma_start3A_142 = tpu.memref_slice %arg2[%mul3A_2, %dma_start3A_141] : memref<64x128xi32, #tpu.memory_space<hbm>> -> memref<2x128xi32, #tpu.memory_space<hbm>>
      %dma_start3A_143 = arith.constant 0 : i32
      %dma_start3A_144 = tpu.memref_slice %arg2[%mul3A_2, %dma_start3A_143] : memref<64x128xi32, #tpu.memory_space<hbm>> -> memref<2x128xi32, #tpu.memory_space<hbm>>
      tpu.enqueue_dma source(%dma_start3A_144 : memref<2x128xi32, #tpu.memory_space<hbm>>) target(%arg9 : memref<2x128xi32, #tpu.memory_space<vmem>>) target_semaphore(%run_scoped3A_140 : memref<!tpu.dma_semaphore, #tpu.memory_space<semaphore_mem>>)
      %dma_wait3A_145 = arith.constant 0 : i32
      %dma_wait3A_146 = tpu.memref_slice %arg2[%mul3A_2, %dma_wait3A_145] : memref<64x128xi32, #tpu.memory_space<hbm>> -> memref<2x128xi32, #tpu.memory_space<hbm>>
      %dma_wait3A_147 = arith.constant 0 : i32
      %dma_wait3A_148 = tpu.memref_slice %arg2[%mul3A_2, %dma_wait3A_147] : memref<64x128xi32, #tpu.memory_space<hbm>> -> memref<2x128xi32, #tpu.memory_space<hbm>>
      tpu.wait_dma2 semaphore(%run_scoped3A_140 : memref<!tpu.dma_semaphore, #tpu.memory_space<semaphore_mem>>) src(%dma_wait3A_148 : memref<2x128xi32, #tpu.memory_space<hbm>>) dst(%arg9 : memref<2x128xi32, #tpu.memory_space<vmem>>)
      tpu.yield
    }) : () -> ()
    %dma_start3A = arith.constant 0 : i32
    %dma_start3A_3 = arith.constant 0 : i32
    %dma_start3A_4 = arith.constant 0 : i32
    %dma_start3A_5 = tpu.memref_slice %arg10[%dma_start3A_3, %dma_start3A_4] : memref<256x128xf32, #tpu.memory_space<vmem>> -> memref<128x128xf32, #tpu.memory_space<vmem>>
    %dma_start3A_6 = arith.constant 0 : i32
    %dma_start3A_7 = tpu.memref_slice %arg9[%dma_start3A, %dma_start3A_6] : memref<2x128xi32, #tpu.memory_space<vmem>> -> memref<1x128xi32, #tpu.memory_space<vmem>>
    %dma_start3A_8 = tpu.memref_squeeze %dma_start3A_7 : memref<1x128xi32, #tpu.memory_space<vmem>> -> memref<128xi32, #tpu.memory_space<vmem>>
    %dma_start3A_9 = arith.constant 0 : i32
    %dma_start3A_10 = arith.constant 0 : i32
    %dma_start3A_11 = tpu.memref_slice %arg3[%dma_start3A_9, %dma_start3A_10] : memref<30000x128xf32, #tpu.memory_space<hbm>> -> memref<30000x128xf32, #tpu.memory_space<hbm>>
    tpu.enqueue_indirect_dma source(%dma_start3A_11 : memref<30000x128xf32, #tpu.memory_space<hbm>>) target(%dma_start3A_5 : memref<128x128xf32, #tpu.memory_space<vmem>>) offsets(%dma_start3A_8 : memref<128xi32, #tpu.memory_space<vmem>>) semaphore(%arg15 : memref<!tpu.dma_semaphore, #tpu.memory_space<semaphore_mem>>)
    %dma_start3A_12 = arith.constant 1 : i32
    %dma_start3A_13 = arith.constant 128 : i32
    %dma_start3A_14 = arith.constant 0 : i32
    %dma_start3A_15 = tpu.memref_slice %arg10[%dma_start3A_13, %dma_start3A_14] : memref<256x128xf32, #tpu.memory_space<vmem>> -> memref<128x128xf32, #tpu.memory_space<vmem>>
    %dma_start3A_16 = arith.constant 0 : i32
    %dma_start3A_17 = tpu.memref_slice %arg9[%dma_start3A_12, %dma_start3A_16] : memref<2x128xi32, #tpu.memory_space<vmem>> -> memref<1x128xi32, #tpu.memory_space<vmem>>
    %dma_start3A_18 = tpu.memref_squeeze %dma_start3A_17 : memref<1x128xi32, #tpu.memory_space<vmem>> -> memref<128xi32, #tpu.memory_space<vmem>>
    %dma_start3A_19 = arith.constant 0 : i32
    %dma_start3A_20 = arith.constant 0 : i32
    %dma_start3A_21 = tpu.memref_slice %arg3[%dma_start3A_19, %dma_start3A_20] : memref<30000x128xf32, #tpu.memory_space<hbm>> -> memref<30000x128xf32, #tpu.memory_space<hbm>>
    tpu.enqueue_indirect_dma source(%dma_start3A_21 : memref<30000x128xf32, #tpu.memory_space<hbm>>) target(%dma_start3A_15 : memref<128x128xf32, #tpu.memory_space<vmem>>) offsets(%dma_start3A_18 : memref<128xi32, #tpu.memory_space<vmem>>) semaphore(%arg15 : memref<!tpu.dma_semaphore, #tpu.memory_space<semaphore_mem>>)
    %jit3A = arith.constant 8 : i32
    %eq3A = arith.constant 0 : i32
    %eq3A_22 = arith.cmpi eq, %jit3A, %eq3A : i32
    %jit3A_23 = arith.constant 1 : i32
    %select_n3A = arith.select %eq3A_22, %jit3A_23, %jit3A : i32
    %rem3A = arith.remsi %add3A, %select_n3A : i32
    %ne3A = arith.constant 0 : i32
    %ne3A_24 = arith.cmpi ne, %rem3A, %ne3A : i32
    %lt3A = arith.constant 0 : i32
    %lt3A_25 = arith.cmpi slt, %rem3A, %lt3A : i32
    %lt3A_26 = arith.constant 0 : i32
    %lt3A_27 = arith.cmpi slt, %select_n3A, %lt3A_26 : i32
    %ne3A_28 = arith.xori %lt3A_25, %lt3A_27 : i1
    %and3A = arith.andi %ne3A_28, %ne3A_24 : i1
    %add3A_29 = arith.addi %rem3A, %select_n3A : i32
    %select_n3A_30 = arith.select %and3A, %add3A_29, %rem3A : i32
    %mul3A_31 = arith.constant 256 : i32
    %mul3A_32 = arith.muli %select_n3A_30, %mul3A_31 : i32
    "tpu.region"() ({
      %run_scoped3A_140 = tpu.sem_alloc : memref<!tpu.dma_semaphore, #tpu.memory_space<semaphore_mem>>
      %dma_start3A_141 = arith.constant 0 : i32
      %dma_start3A_142 = tpu.memref_slice %arg4[%mul3A_32, %dma_start3A_141] : memref<2048x128xf32, #tpu.memory_space<hbm>> -> memref<256x128xf32, #tpu.memory_space<hbm>>
      %dma_start3A_143 = arith.constant 0 : i32
      %dma_start3A_144 = tpu.memref_slice %arg4[%mul3A_32, %dma_start3A_143] : memref<2048x128xf32, #tpu.memory_space<hbm>> -> memref<256x128xf32, #tpu.memory_space<hbm>>
      tpu.enqueue_dma source(%dma_start3A_144 : memref<256x128xf32, #tpu.memory_space<hbm>>) target(%arg11 : memref<256x128xf32, #tpu.memory_space<vmem>>) target_semaphore(%run_scoped3A_140 : memref<!tpu.dma_semaphore, #tpu.memory_space<semaphore_mem>>)
      %dma_wait3A_145 = arith.constant 0 : i32
      %dma_wait3A_146 = tpu.memref_slice %arg4[%mul3A_32, %dma_wait3A_145] : memref<2048x128xf32, #tpu.memory_space<hbm>> -> memref<256x128xf32, #tpu.memory_space<hbm>>
      %dma_wait3A_147 = arith.constant 0 : i32
      %dma_wait3A_148 = tpu.memref_slice %arg4[%mul3A_32, %dma_wait3A_147] : memref<2048x128xf32, #tpu.memory_space<hbm>> -> memref<256x128xf32, #tpu.memory_space<hbm>>
      tpu.wait_dma2 semaphore(%run_scoped3A_140 : memref<!tpu.dma_semaphore, #tpu.memory_space<semaphore_mem>>) src(%dma_wait3A_148 : memref<256x128xf32, #tpu.memory_space<hbm>>) dst(%arg11 : memref<256x128xf32, #tpu.memory_space<vmem>>)
      tpu.yield
    }) : () -> ()
    %run_scoped3A = arith.constant 0 : i32
    "tpu.region"() ({
      %run_scoped3A_140 = tpu.sem_alloc : memref<!tpu.dma_semaphore, #tpu.memory_space<semaphore_mem>>
      %dma_start3A_141 = arith.constant 0 : i32
      %dma_start3A_142 = tpu.memref_slice %arg5[%run_scoped3A, %dma_start3A_141] : memref<2x128xf32, #tpu.memory_space<hbm>> -> memref<1x128xf32, #tpu.memory_space<hbm>>
      %dma_start3A_143 = tpu.memref_squeeze %dma_start3A_142 : memref<1x128xf32, #tpu.memory_space<hbm>> -> memref<128xf32, #tpu.memory_space<hbm>>
      %dma_start3A_144 = arith.constant 0 : i32
      %dma_start3A_145 = tpu.memref_slice %arg5[%run_scoped3A, %dma_start3A_144] : memref<2x128xf32, #tpu.memory_space<hbm>> -> memref<1x128xf32, #tpu.memory_space<hbm>>
      %dma_start3A_146 = tpu.memref_squeeze %dma_start3A_145 : memref<1x128xf32, #tpu.memory_space<hbm>> -> memref<128xf32, #tpu.memory_space<hbm>>
      tpu.enqueue_dma source(%dma_start3A_146 : memref<128xf32, #tpu.memory_space<hbm>>) target(%arg12 : memref<128xf32, #tpu.memory_space<vmem>>) target_semaphore(%run_scoped3A_140 : memref<!tpu.dma_semaphore, #tpu.memory_space<semaphore_mem>>)
      %dma_wait3A_147 = arith.constant 0 : i32
      %dma_wait3A_148 = tpu.memref_slice %arg5[%run_scoped3A, %dma_wait3A_147] : memref<2x128xf32, #tpu.memory_space<hbm>> -> memref<1x128xf32, #tpu.memory_space<hbm>>
      %dma_wait3A_149 = tpu.memref_squeeze %dma_wait3A_148 : memref<1x128xf32, #tpu.memory_space<hbm>> -> memref<128xf32, #tpu.memory_space<hbm>>
      %dma_wait3A_150 = arith.constant 0 : i32
      %dma_wait3A_151 = tpu.memref_slice %arg5[%run_scoped3A, %dma_wait3A_150] : memref<2x128xf32, #tpu.memory_space<hbm>> -> memref<1x128xf32, #tpu.memory_space<hbm>>
      %dma_wait3A_152 = tpu.memref_squeeze %dma_wait3A_151 : memref<1x128xf32, #tpu.memory_space<hbm>> -> memref<128xf32, #tpu.memory_space<hbm>>
      tpu.wait_dma2 semaphore(%run_scoped3A_140 : memref<!tpu.dma_semaphore, #tpu.memory_space<semaphore_mem>>) src(%dma_wait3A_152 : memref<128xf32, #tpu.memory_space<hbm>>) dst(%arg12 : memref<128xf32, #tpu.memory_space<vmem>>)
      tpu.yield
    }) : () -> ()
    "tpu.region"() ({
      %run_scoped3A_140 = tpu.sem_alloc : memref<!tpu.dma_semaphore, #tpu.memory_space<semaphore_mem>>
      tpu.enqueue_dma source(%arg6 : memref<128xf32, #tpu.memory_space<hbm>>) target(%arg13 : memref<128xf32, #tpu.memory_space<vmem>>) target_semaphore(%run_scoped3A_140 : memref<!tpu.dma_semaphore, #tpu.memory_space<semaphore_mem>>)
      tpu.wait_dma2 semaphore(%run_scoped3A_140 : memref<!tpu.dma_semaphore, #tpu.memory_space<semaphore_mem>>) src(%arg6 : memref<128xf32, #tpu.memory_space<hbm>>) dst(%arg13 : memref<128xf32, #tpu.memory_space<vmem>>)
      tpu.yield
    }) : () -> ()
    "tpu.region"() ({
      %run_scoped3A_140 = tpu.sem_alloc : memref<!tpu.dma_semaphore, #tpu.memory_space<semaphore_mem>>
      tpu.enqueue_dma source(%arg7 : memref<128xf32, #tpu.memory_space<hbm>>) target(%arg14 : memref<128xf32, #tpu.memory_space<vmem>>) target_semaphore(%run_scoped3A_140 : memref<!tpu.dma_semaphore, #tpu.memory_space<semaphore_mem>>)
      tpu.wait_dma2 semaphore(%run_scoped3A_140 : memref<!tpu.dma_semaphore, #tpu.memory_space<semaphore_mem>>) src(%arg7 : memref<128xf32, #tpu.memory_space<hbm>>) dst(%arg14 : memref<128xf32, #tpu.memory_space<vmem>>)
      tpu.yield
    }) : () -> ()
    %dma_wait3A = arith.constant 0 : i32
    %dma_wait3A_33 = arith.constant 0 : i32
    %dma_wait3A_34 = arith.constant 0 : i32
    %dma_wait3A_35 = tpu.memref_slice %arg10[%dma_wait3A_33, %dma_wait3A_34] : memref<256x128xf32, #tpu.memory_space<vmem>> -> memref<128x128xf32, #tpu.memory_space<vmem>>
    %dma_wait3A_36 = arith.constant 0 : i32
    %dma_wait3A_37 = tpu.memref_slice %arg9[%dma_wait3A, %dma_wait3A_36] : memref<2x128xi32, #tpu.memory_space<vmem>> -> memref<1x128xi32, #tpu.memory_space<vmem>>
    %dma_wait3A_38 = tpu.memref_squeeze %dma_wait3A_37 : memref<1x128xi32, #tpu.memory_space<vmem>> -> memref<128xi32, #tpu.memory_space<vmem>>
    %dma_wait3A_39 = arith.constant 0 : i32
    %dma_wait3A_40 = arith.constant 0 : i32
    %dma_wait3A_41 = tpu.memref_slice %arg3[%dma_wait3A_39, %dma_wait3A_40] : memref<30000x128xf32, #tpu.memory_space<hbm>> -> memref<30000x128xf32, #tpu.memory_space<hbm>>
    tpu.wait_indirect_dma semaphore(%arg15 : memref<!tpu.dma_semaphore, #tpu.memory_space<semaphore_mem>>) src(%dma_wait3A_41 : memref<30000x128xf32, #tpu.memory_space<hbm>>) dst(%dma_wait3A_35 : memref<128x128xf32, #tpu.memory_space<vmem>>)
    %dma_wait3A_42 = arith.constant 1 : i32
    %dma_wait3A_43 = arith.constant 128 : i32
    %dma_wait3A_44 = arith.constant 0 : i32
    %dma_wait3A_45 = tpu.memref_slice %arg10[%dma_wait3A_43, %dma_wait3A_44] : memref<256x128xf32, #tpu.memory_space<vmem>> -> memref<128x128xf32, #tpu.memory_space<vmem>>
    %dma_wait3A_46 = arith.constant 0 : i32
    %dma_wait3A_47 = tpu.memref_slice %arg9[%dma_wait3A_42, %dma_wait3A_46] : memref<2x128xi32, #tpu.memory_space<vmem>> -> memref<1x128xi32, #tpu.memory_space<vmem>>
    %dma_wait3A_48 = tpu.memref_squeeze %dma_wait3A_47 : memref<1x128xi32, #tpu.memory_space<vmem>> -> memref<128xi32, #tpu.memory_space<vmem>>
    %dma_wait3A_49 = arith.constant 0 : i32
    %dma_wait3A_50 = arith.constant 0 : i32
    %dma_wait3A_51 = tpu.memref_slice %arg3[%dma_wait3A_49, %dma_wait3A_50] : memref<30000x128xf32, #tpu.memory_space<hbm>> -> memref<30000x128xf32, #tpu.memory_space<hbm>>
    tpu.wait_indirect_dma semaphore(%arg15 : memref<!tpu.dma_semaphore, #tpu.memory_space<semaphore_mem>>) src(%dma_wait3A_51 : memref<30000x128xf32, #tpu.memory_space<hbm>>) dst(%dma_wait3A_45 : memref<128x128xf32, #tpu.memory_space<vmem>>)
    %get3A = arith.constant 0 : index
    %get3A_52 = tpu.vector_load %arg12[%get3A] {strides = array<i32>} : memref<128xf32, #tpu.memory_space<vmem>>, vector<16xf32>,
    %get3A_53 = vector.shape_cast %get3A_52 : vector<16xf32> to vector<16xf32>
    %get3A_54 = arith.constant 16 : index
    %get3A_55 = tpu.vector_load %arg12[%get3A_54] {strides = array<i32>} : memref<128xf32, #tpu.memory_space<vmem>>, vector<16xf32>,
    %get3A_56 = vector.shape_cast %get3A_55 : vector<16xf32> to vector<16xf32>
    %get3A_57 = arith.constant 32 : index
    %get3A_58 = tpu.vector_load %arg12[%get3A_57] {strides = array<i32>} : memref<128xf32, #tpu.memory_space<vmem>>, vector<16xf32>,
    %get3A_59 = vector.shape_cast %get3A_58 : vector<16xf32> to vector<16xf32>
    %get3A_60 = arith.constant 48 : index
    %get3A_61 = tpu.vector_load %arg12[%get3A_60] {strides = array<i32>} : memref<128xf32, #tpu.memory_space<vmem>>, vector<16xf32>,
    %get3A_62 = vector.shape_cast %get3A_61 : vector<16xf32> to vector<16xf32>
    %get3A_63 = arith.constant 64 : index
    %get3A_64 = tpu.vector_load %arg12[%get3A_63] {strides = array<i32>} : memref<128xf32, #tpu.memory_space<vmem>>, vector<16xf32>,
    %get3A_65 = vector.shape_cast %get3A_64 : vector<16xf32> to vector<16xf32>
    %get3A_66 = arith.constant 80 : index
    %get3A_67 = tpu.vector_load %arg12[%get3A_66] {strides = array<i32>} : memref<128xf32, #tpu.memory_space<vmem>>, vector<16xf32>,
    %get3A_68 = vector.shape_cast %get3A_67 : vector<16xf32> to vector<16xf32>
    %get3A_69 = arith.constant 96 : index
    %get3A_70 = tpu.vector_load %arg12[%get3A_69] {strides = array<i32>} : memref<128xf32, #tpu.memory_space<vmem>>, vector<16xf32>,
    %get3A_71 = vector.shape_cast %get3A_70 : vector<16xf32> to vector<16xf32>
    %get3A_72 = arith.constant 112 : index
    %get3A_73 = tpu.vector_load %arg12[%get3A_72] {strides = array<i32>} : memref<128xf32, #tpu.memory_space<vmem>>, vector<16xf32>,
    %get3A_74 = vector.shape_cast %get3A_73 : vector<16xf32> to vector<16xf32>
    %get3A_75 = arith.constant 0 : index
    %get3A_76 = tpu.vector_load %arg13[%get3A_75] {strides = array<i32>} : memref<128xf32, #tpu.memory_space<vmem>>, vector<16xf32>,
    %get3A_77 = vector.shape_cast %get3A_76 : vector<16xf32> to vector<16xf32>
    %get3A_78 = arith.constant 16 : index
    %get3A_79 = tpu.vector_load %arg13[%get3A_78] {strides = array<i32>} : memref<128xf32, #tpu.memory_space<vmem>>, vector<16xf32>,
    %get3A_80 = vector.shape_cast %get3A_79 : vector<16xf32> to vector<16xf32>
    %get3A_81 = arith.constant 32 : index
    %get3A_82 = tpu.vector_load %arg13[%get3A_81] {strides = array<i32>} : memref<128xf32, #tpu.memory_space<vmem>>, vector<16xf32>,
    %get3A_83 = vector.shape_cast %get3A_82 : vector<16xf32> to vector<16xf32>
    %get3A_84 = arith.constant 48 : index
    %get3A_85 = tpu.vector_load %arg13[%get3A_84] {strides = array<i32>} : memref<128xf32, #tpu.memory_space<vmem>>, vector<16xf32>,
    %get3A_86 = vector.shape_cast %get3A_85 : vector<16xf32> to vector<16xf32>
    %get3A_87 = arith.constant 64 : index
    %get3A_88 = tpu.vector_load %arg13[%get3A_87] {strides = array<i32>} : memref<128xf32, #tpu.memory_space<vmem>>, vector<16xf32>,
    %get3A_89 = vector.shape_cast %get3A_88 : vector<16xf32> to vector<16xf32>
    %get3A_90 = arith.constant 80 : index
    %get3A_91 = tpu.vector_load %arg13[%get3A_90] {strides = array<i32>} : memref<128xf32, #tpu.memory_space<vmem>>, vector<16xf32>,
    %get3A_92 = vector.shape_cast %get3A_91 : vector<16xf32> to vector<16xf32>
    %get3A_93 = arith.constant 96 : index
    %get3A_94 = tpu.vector_load %arg13[%get3A_93] {strides = array<i32>} : memref<128xf32, #tpu.memory_space<vmem>>, vector<16xf32>,
    %get3A_95 = vector.shape_cast %get3A_94 : vector<16xf32> to vector<16xf32>
    %get3A_96 = arith.constant 112 : index
    %get3A_97 = tpu.vector_load %arg13[%get3A_96] {strides = array<i32>} : memref<128xf32, #tpu.memory_space<vmem>>, vector<16xf32>,
    %get3A_98 = vector.shape_cast %get3A_97 : vector<16xf32> to vector<16xf32>
    %get3A_99 = arith.constant 0 : index
    %get3A_100 = tpu.vector_load %arg14[%get3A_99] {strides = array<i32>} : memref<128xf32, #tpu.memory_space<vmem>>, vector<16xf32>,
    %get3A_101 = vector.shape_cast %get3A_100 : vector<16xf32> to vector<16xf32>
    %get3A_102 = arith.constant 16 : index
    %get3A_103 = tpu.vector_load %arg14[%get3A_102] {strides = array<i32>} : memref<128xf32, #tpu.memory_space<vmem>>, vector<16xf32>,
    %get3A_104 = vector.shape_cast %get3A_103 : vector<16xf32> to vector<16xf32>
    %get3A_105 = arith.constant 32 : index
    %get3A_106 = tpu.vector_load %arg14[%get3A_105] {strides = array<i32>} : memref<128xf32, #tpu.memory_space<vmem>>, vector<16xf32>,
    %get3A_107 = vector.shape_cast %get3A_106 : vector<16xf32> to vector<16xf32>
    %get3A_108 = arith.constant 48 : index
    %get3A_109 = tpu.vector_load %arg14[%get3A_108] {strides = array<i32>} : memref<128xf32, #tpu.memory_space<vmem>>, vector<16xf32>,
    %get3A_110 = vector.shape_cast %get3A_109 : vector<16xf32> to vector<16xf32>
    %get3A_111 = arith.constant 64 : index
    %get3A_112 = tpu.vector_load %arg14[%get3A_111] {strides = array<i32>} : memref<128xf32, #tpu.memory_space<vmem>>, vector<16xf32>,
    %get3A_113 = vector.shape_cast %get3A_112 : vector<16xf32> to vector<16xf32>
    %get3A_114 = arith.constant 80 : index
    %get3A_115 = tpu.vector_load %arg14[%get3A_114] {strides = array<i32>} : memref<128xf32, #tpu.memory_space<vmem>>, vector<16xf32>,
    %get3A_116 = vector.shape_cast %get3A_115 : vector<16xf32> to vector<16xf32>
    %get3A_117 = arith.constant 96 : index
    %get3A_118 = tpu.vector_load %arg14[%get3A_117] {strides = array<i32>} : memref<128xf32, #tpu.memory_space<vmem>>, vector<16xf32>,
    %get3A_119 = vector.shape_cast %get3A_118 : vector<16xf32> to vector<16xf32>
    %get3A_120 = arith.constant 112 : index
    %get3A_121 = tpu.vector_load %arg14[%get3A_120] {strides = array<i32>} : memref<128xf32, #tpu.memory_space<vmem>>, vector<16xf32>,
    %get3A_122 = vector.shape_cast %get3A_121 : vector<16xf32> to vector<16xf32>
    %iota3A = tpu.iota {dimensions = array<i32: 0>} : vector<16xi32>
    %xor3A = arith.constant 8 : i32
    %xor3A_123 = vector.broadcast %xor3A : i32 to vector<16xi32>
    %xor3A_124 = arith.xori %iota3A, %xor3A_123 : vector<16xi32>
    %xor3A_125 = arith.constant 4 : i32
    %xor3A_126 = vector.broadcast %xor3A_125 : i32 to vector<16xi32>
    %xor3A_127 = arith.xori %iota3A, %xor3A_126 : vector<16xi32>
    %xor3A_128 = arith.constant 2 : i32
    %xor3A_129 = vector.broadcast %xor3A_128 : i32 to vector<16xi32>
    %xor3A_130 = arith.xori %iota3A, %xor3A_129 : vector<16xi32>
    %xor3A_131 = arith.constant 1 : i32
    %xor3A_132 = vector.broadcast %xor3A_131 : i32 to vector<16xi32>
    %xor3A_133 = arith.xori %iota3A, %xor3A_132 : vector<16xi32>
    %scan3A = arith.constant 0 : i32
    %scan3A_134 = arith.constant 256 : i32
    %scan3A_135 = arith.addi %scan3A, %scan3A_134 : i32
    %scan3A_136 = arith.constant 1 : i32
    scf.for %scan3A_140 = %scan3A to %scan3A_135 step %scan3A_136  : i32 {
      %broadcast_in_dim3A = arith.constant 0.000000e+00 : f32
      %broadcast_in_dim3A_141 = vector.broadcast %broadcast_in_dim3A : f32 to vector<16xf32>
      %broadcast_in_dim3A_142 = arith.constant 0.000000e+00 : f32
      %broadcast_in_dim3A_143 = vector.broadcast %broadcast_in_dim3A_142 : f32 to vector<16xf32>
      %get3A_144 = arith.index_cast %scan3A_140 : i32 to index
      %get3A_145 = arith.constant 0 : index
      %get3A_146 = tpu.vector_load %arg10[%get3A_144, %get3A_145] {strides = array<i32>} : memref<256x128xf32, #tpu.memory_space<vmem>>, vector<1x16xf32>,
      %get3A_147 = vector.shape_cast %get3A_146 : vector<1x16xf32> to vector<16xf32>
      %get3A_148 = arith.index_cast %scan3A_140 : i32 to index
      %get3A_149 = arith.constant 0 : index
      %get3A_150 = tpu.vector_load %arg11[%get3A_148, %get3A_149] {strides = array<i32>} : memref<256x128xf32, #tpu.memory_space<vmem>>, vector<1x16xf32>,
      %get3A_151 = vector.shape_cast %get3A_150 : vector<1x16xf32> to vector<16xf32>
      %add3A_152 = arith.addf %get3A_147, %get3A_151 : vector<16xf32>
      %add3A_153 = arith.addf %add3A_152, %get3A_53 : vector<16xf32>
      %add3A_154 = arith.addf %broadcast_in_dim3A_141, %add3A_153 : vector<16xf32>
      %mul3A_155 = arith.mulf %add3A_153, %add3A_153 : vector<16xf32>
      %add3A_156 = arith.addf %broadcast_in_dim3A_143, %mul3A_155 : vector<16xf32>
      %get3A_157 = arith.index_cast %scan3A_140 : i32 to index
      %get3A_158 = arith.constant 16 : index
      %get3A_159 = tpu.vector_load %arg10[%get3A_157, %get3A_158] {strides = array<i32>} : memref<256x128xf32, #tpu.memory_space<vmem>>, vector<1x16xf32>,
      %get3A_160 = vector.shape_cast %get3A_159 : vector<1x16xf32> to vector<16xf32>
      %get3A_161 = arith.index_cast %scan3A_140 : i32 to index
      %get3A_162 = arith.constant 16 : index
      %get3A_163 = tpu.vector_load %arg11[%get3A_161, %get3A_162] {strides = array<i32>} : memref<256x128xf32, #tpu.memory_space<vmem>>, vector<1x16xf32>,
      %get3A_164 = vector.shape_cast %get3A_163 : vector<1x16xf32> to vector<16xf32>
      %add3A_165 = arith.addf %get3A_160, %get3A_164 : vector<16xf32>
      %add3A_166 = arith.addf %add3A_165, %get3A_56 : vector<16xf32>
      %add3A_167 = arith.addf %add3A_154, %add3A_166 : vector<16xf32>
      %mul3A_168 = arith.mulf %add3A_166, %add3A_166 : vector<16xf32>
      %add3A_169 = arith.addf %add3A_156, %mul3A_168 : vector<16xf32>
      %get3A_170 = arith.index_cast %scan3A_140 : i32 to index
      %get3A_171 = arith.constant 32 : index
      %get3A_172 = tpu.vector_load %arg10[%get3A_170, %get3A_171] {strides = array<i32>} : memref<256x128xf32, #tpu.memory_space<vmem>>, vector<1x16xf32>,
      %get3A_173 = vector.shape_cast %get3A_172 : vector<1x16xf32> to vector<16xf32>
      %get3A_174 = arith.index_cast %scan3A_140 : i32 to index
      %get3A_175 = arith.constant 32 : index
      %get3A_176 = tpu.vector_load %arg11[%get3A_174, %get3A_175] {strides = array<i32>} : memref<256x128xf32, #tpu.memory_space<vmem>>, vector<1x16xf32>,
      %get3A_177 = vector.shape_cast %get3A_176 : vector<1x16xf32> to vector<16xf32>
      %add3A_178 = arith.addf %get3A_173, %get3A_177 : vector<16xf32>
      %add3A_179 = arith.addf %add3A_178, %get3A_59 : vector<16xf32>
      %add3A_180 = arith.addf %add3A_167, %add3A_179 : vector<16xf32>
      %mul3A_181 = arith.mulf %add3A_179, %add3A_179 : vector<16xf32>
      %add3A_182 = arith.addf %add3A_169, %mul3A_181 : vector<16xf32>
      %get3A_183 = arith.index_cast %scan3A_140 : i32 to index
      %get3A_184 = arith.constant 48 : index
      %get3A_185 = tpu.vector_load %arg10[%get3A_183, %get3A_184] {strides = array<i32>} : memref<256x128xf32, #tpu.memory_space<vmem>>, vector<1x16xf32>,
      %get3A_186 = vector.shape_cast %get3A_185 : vector<1x16xf32> to vector<16xf32>
      %get3A_187 = arith.index_cast %scan3A_140 : i32 to index
      %get3A_188 = arith.constant 48 : index
      %get3A_189 = tpu.vector_load %arg11[%get3A_187, %get3A_188] {strides = array<i32>} : memref<256x128xf32, #tpu.memory_space<vmem>>, vector<1x16xf32>,
      %get3A_190 = vector.shape_cast %get3A_189 : vector<1x16xf32> to vector<16xf32>
      %add3A_191 = arith.addf %get3A_186, %get3A_190 : vector<16xf32>
      %add3A_192 = arith.addf %add3A_191, %get3A_62 : vector<16xf32>
      %add3A_193 = arith.addf %add3A_180, %add3A_192 : vector<16xf32>
      %mul3A_194 = arith.mulf %add3A_192, %add3A_192 : vector<16xf32>
      %add3A_195 = arith.addf %add3A_182, %mul3A_194 : vector<16xf32>
      %get3A_196 = arith.index_cast %scan3A_140 : i32 to index
      %get3A_197 = arith.constant 64 : index
      %get3A_198 = tpu.vector_load %arg10[%get3A_196, %get3A_197] {strides = array<i32>} : memref<256x128xf32, #tpu.memory_space<vmem>>, vector<1x16xf32>,
      %get3A_199 = vector.shape_cast %get3A_198 : vector<1x16xf32> to vector<16xf32>
      %get3A_200 = arith.index_cast %scan3A_140 : i32 to index
      %get3A_201 = arith.constant 64 : index
      %get3A_202 = tpu.vector_load %arg11[%get3A_200, %get3A_201] {strides = array<i32>} : memref<256x128xf32, #tpu.memory_space<vmem>>, vector<1x16xf32>,
      %get3A_203 = vector.shape_cast %get3A_202 : vector<1x16xf32> to vector<16xf32>
      %add3A_204 = arith.addf %get3A_199, %get3A_203 : vector<16xf32>
      %add3A_205 = arith.addf %add3A_204, %get3A_65 : vector<16xf32>
      %add3A_206 = arith.addf %add3A_193, %add3A_205 : vector<16xf32>
      %mul3A_207 = arith.mulf %add3A_205, %add3A_205 : vector<16xf32>
      %add3A_208 = arith.addf %add3A_195, %mul3A_207 : vector<16xf32>
      %get3A_209 = arith.index_cast %scan3A_140 : i32 to index
      %get3A_210 = arith.constant 80 : index
      %get3A_211 = tpu.vector_load %arg10[%get3A_209, %get3A_210] {strides = array<i32>} : memref<256x128xf32, #tpu.memory_space<vmem>>, vector<1x16xf32>,
      %get3A_212 = vector.shape_cast %get3A_211 : vector<1x16xf32> to vector<16xf32>
      %get3A_213 = arith.index_cast %scan3A_140 : i32 to index
      %get3A_214 = arith.constant 80 : index
      %get3A_215 = tpu.vector_load %arg11[%get3A_213, %get3A_214] {strides = array<i32>} : memref<256x128xf32, #tpu.memory_space<vmem>>, vector<1x16xf32>,
      %get3A_216 = vector.shape_cast %get3A_215 : vector<1x16xf32> to vector<16xf32>
      %add3A_217 = arith.addf %get3A_212, %get3A_216 : vector<16xf32>
      %add3A_218 = arith.addf %add3A_217, %get3A_68 : vector<16xf32>
      %add3A_219 = arith.addf %add3A_206, %add3A_218 : vector<16xf32>
      %mul3A_220 = arith.mulf %add3A_218, %add3A_218 : vector<16xf32>
      %add3A_221 = arith.addf %add3A_208, %mul3A_220 : vector<16xf32>
      %get3A_222 = arith.index_cast %scan3A_140 : i32 to index
      %get3A_223 = arith.constant 96 : index
      %get3A_224 = tpu.vector_load %arg10[%get3A_222, %get3A_223] {strides = array<i32>} : memref<256x128xf32, #tpu.memory_space<vmem>>, vector<1x16xf32>,
      %get3A_225 = vector.shape_cast %get3A_224 : vector<1x16xf32> to vector<16xf32>
      %get3A_226 = arith.index_cast %scan3A_140 : i32 to index
      %get3A_227 = arith.constant 96 : index
      %get3A_228 = tpu.vector_load %arg11[%get3A_226, %get3A_227] {strides = array<i32>} : memref<256x128xf32, #tpu.memory_space<vmem>>, vector<1x16xf32>,
      %get3A_229 = vector.shape_cast %get3A_228 : vector<1x16xf32> to vector<16xf32>
      %add3A_230 = arith.addf %get3A_225, %get3A_229 : vector<16xf32>
      %add3A_231 = arith.addf %add3A_230, %get3A_71 : vector<16xf32>
      %add3A_232 = arith.addf %add3A_219, %add3A_231 : vector<16xf32>
      %mul3A_233 = arith.mulf %add3A_231, %add3A_231 : vector<16xf32>
      %add3A_234 = arith.addf %add3A_221, %mul3A_233 : vector<16xf32>
      %get3A_235 = arith.index_cast %scan3A_140 : i32 to index
      %get3A_236 = arith.constant 112 : index
      %get3A_237 = tpu.vector_load %arg10[%get3A_235, %get3A_236] {strides = array<i32>} : memref<256x128xf32, #tpu.memory_space<vmem>>, vector<1x16xf32>,
      %get3A_238 = vector.shape_cast %get3A_237 : vector<1x16xf32> to vector<16xf32>
      %get3A_239 = arith.index_cast %scan3A_140 : i32 to index
      %get3A_240 = arith.constant 112 : index
      %get3A_241 = tpu.vector_load %arg11[%get3A_239, %get3A_240] {strides = array<i32>} : memref<256x128xf32, #tpu.memory_space<vmem>>, vector<1x16xf32>,
      %get3A_242 = vector.shape_cast %get3A_241 : vector<1x16xf32> to vector<16xf32>
      %add3A_243 = arith.addf %get3A_238, %get3A_242 : vector<16xf32>
      %add3A_244 = arith.addf %add3A_243, %get3A_74 : vector<16xf32>
      %add3A_245 = arith.addf %add3A_232, %add3A_244 : vector<16xf32>
      %mul3A_246 = arith.mulf %add3A_244, %add3A_244 : vector<16xf32>
      %add3A_247 = arith.addf %add3A_234, %mul3A_246 : vector<16xf32>
      %lt3A_248 = arith.constant 0 : i32
      %lt3A_249 = vector.broadcast %lt3A_248 : i32 to vector<16xi32>
      %lt3A_250 = arith.cmpi slt, %xor3A_124, %lt3A_249 : vector<16xi32>
      %add3A_251 = arith.constant 16 : i32
      %add3A_252 = vector.broadcast %add3A_251 : i32 to vector<16xi32>
      %add3A_253 = arith.addi %xor3A_124, %add3A_252 : vector<16xi32>
      %select_n3A_254 = arith.select %lt3A_250, %add3A_253, %xor3A_124 : vector<16xi1>, vector<16xi32>
      %broadcast_in_dim3A_255 = vector.shape_cast %select_n3A_254 : vector<16xi32> to vector<16x1xi32>
      %gather3A = vector.shape_cast %broadcast_in_dim3A_255 : vector<16x1xi32> to vector<16xi32>
      %gather3A_256 = tpu.dynamic_gather %add3A_245[%gather3A] in [0] : vector<16xf32>, vector<16xi32> -> vector<16xf32>
      %add3A_257 = arith.addf %add3A_245, %gather3A_256 : vector<16xf32>
      %lt3A_258 = arith.constant 0 : i32
      %lt3A_259 = vector.broadcast %lt3A_258 : i32 to vector<16xi32>
      %lt3A_260 = arith.cmpi slt, %xor3A_127, %lt3A_259 : vector<16xi32>
      %add3A_261 = arith.constant 16 : i32
      %add3A_262 = vector.broadcast %add3A_261 : i32 to vector<16xi32>
      %add3A_263 = arith.addi %xor3A_127, %add3A_262 : vector<16xi32>
      %select_n3A_264 = arith.select %lt3A_260, %add3A_263, %xor3A_127 : vector<16xi1>, vector<16xi32>
      %broadcast_in_dim3A_265 = vector.shape_cast %select_n3A_264 : vector<16xi32> to vector<16x1xi32>
      %gather3A_266 = vector.shape_cast %broadcast_in_dim3A_265 : vector<16x1xi32> to vector<16xi32>
      %gather3A_267 = tpu.dynamic_gather %add3A_257[%gather3A_266] in [0] : vector<16xf32>, vector<16xi32> -> vector<16xf32>
      %add3A_268 = arith.addf %add3A_257, %gather3A_267 : vector<16xf32>
      %lt3A_269 = arith.constant 0 : i32
      %lt3A_270 = vector.broadcast %lt3A_269 : i32 to vector<16xi32>
      %lt3A_271 = arith.cmpi slt, %xor3A_130, %lt3A_270 : vector<16xi32>
      %add3A_272 = arith.constant 16 : i32
      %add3A_273 = vector.broadcast %add3A_272 : i32 to vector<16xi32>
      %add3A_274 = arith.addi %xor3A_130, %add3A_273 : vector<16xi32>
      %select_n3A_275 = arith.select %lt3A_271, %add3A_274, %xor3A_130 : vector<16xi1>, vector<16xi32>
      %broadcast_in_dim3A_276 = vector.shape_cast %select_n3A_275 : vector<16xi32> to vector<16x1xi32>
      %gather3A_277 = vector.shape_cast %broadcast_in_dim3A_276 : vector<16x1xi32> to vector<16xi32>
      %gather3A_278 = tpu.dynamic_gather %add3A_268[%gather3A_277] in [0] : vector<16xf32>, vector<16xi32> -> vector<16xf32>
      %add3A_279 = arith.addf %add3A_268, %gather3A_278 : vector<16xf32>
      %lt3A_280 = arith.constant 0 : i32
      %lt3A_281 = vector.broadcast %lt3A_280 : i32 to vector<16xi32>
      %lt3A_282 = arith.cmpi slt, %xor3A_133, %lt3A_281 : vector<16xi32>
      %add3A_283 = arith.constant 16 : i32
      %add3A_284 = vector.broadcast %add3A_283 : i32 to vector<16xi32>
      %add3A_285 = arith.addi %xor3A_133, %add3A_284 : vector<16xi32>
      %select_n3A_286 = arith.select %lt3A_282, %add3A_285, %xor3A_133 : vector<16xi1>, vector<16xi32>
      %broadcast_in_dim3A_287 = vector.shape_cast %select_n3A_286 : vector<16xi32> to vector<16x1xi32>
      %gather3A_288 = vector.shape_cast %broadcast_in_dim3A_287 : vector<16x1xi32> to vector<16xi32>
      %gather3A_289 = tpu.dynamic_gather %add3A_279[%gather3A_288] in [0] : vector<16xf32>, vector<16xi32> -> vector<16xf32>
      %add3A_290 = arith.addf %add3A_279, %gather3A_289 : vector<16xf32>
      %mul3A_291 = arith.constant 7.812500e-03 : f32
      %mul3A_292 = vector.broadcast %mul3A_291 : f32 to vector<16xf32>
      %mul3A_293 = arith.mulf %add3A_290, %mul3A_292 : vector<16xf32>
      %lt3A_294 = arith.constant 0 : i32
      %lt3A_295 = vector.broadcast %lt3A_294 : i32 to vector<16xi32>
      %lt3A_296 = arith.cmpi slt, %xor3A_124, %lt3A_295 : vector<16xi32>
      %add3A_297 = arith.constant 16 : i32
      %add3A_298 = vector.broadcast %add3A_297 : i32 to vector<16xi32>
      %add3A_299 = arith.addi %xor3A_124, %add3A_298 : vector<16xi32>
      %select_n3A_300 = arith.select %lt3A_296, %add3A_299, %xor3A_124 : vector<16xi1>, vector<16xi32>
      %broadcast_in_dim3A_301 = vector.shape_cast %select_n3A_300 : vector<16xi32> to vector<16x1xi32>
      %gather3A_302 = vector.shape_cast %broadcast_in_dim3A_301 : vector<16x1xi32> to vector<16xi32>
      %gather3A_303 = tpu.dynamic_gather %add3A_247[%gather3A_302] in [0] : vector<16xf32>, vector<16xi32> -> vector<16xf32>
      %add3A_304 = arith.addf %add3A_247, %gather3A_303 : vector<16xf32>
      %lt3A_305 = arith.constant 0 : i32
      %lt3A_306 = vector.broadcast %lt3A_305 : i32 to vector<16xi32>
      %lt3A_307 = arith.cmpi slt, %xor3A_127, %lt3A_306 : vector<16xi32>
      %add3A_308 = arith.constant 16 : i32
      %add3A_309 = vector.broadcast %add3A_308 : i32 to vector<16xi32>
      %add3A_310 = arith.addi %xor3A_127, %add3A_309 : vector<16xi32>
      %select_n3A_311 = arith.select %lt3A_307, %add3A_310, %xor3A_127 : vector<16xi1>, vector<16xi32>
      %broadcast_in_dim3A_312 = vector.shape_cast %select_n3A_311 : vector<16xi32> to vector<16x1xi32>
      %gather3A_313 = vector.shape_cast %broadcast_in_dim3A_312 : vector<16x1xi32> to vector<16xi32>
      %gather3A_314 = tpu.dynamic_gather %add3A_304[%gather3A_313] in [0] : vector<16xf32>, vector<16xi32> -> vector<16xf32>
      %add3A_315 = arith.addf %add3A_304, %gather3A_314 : vector<16xf32>
      %lt3A_316 = arith.constant 0 : i32
      %lt3A_317 = vector.broadcast %lt3A_316 : i32 to vector<16xi32>
      %lt3A_318 = arith.cmpi slt, %xor3A_130, %lt3A_317 : vector<16xi32>
      %add3A_319 = arith.constant 16 : i32
      %add3A_320 = vector.broadcast %add3A_319 : i32 to vector<16xi32>
      %add3A_321 = arith.addi %xor3A_130, %add3A_320 : vector<16xi32>
      %select_n3A_322 = arith.select %lt3A_318, %add3A_321, %xor3A_130 : vector<16xi1>, vector<16xi32>
      %broadcast_in_dim3A_323 = vector.shape_cast %select_n3A_322 : vector<16xi32> to vector<16x1xi32>
      %gather3A_324 = vector.shape_cast %broadcast_in_dim3A_323 : vector<16x1xi32> to vector<16xi32>
      %gather3A_325 = tpu.dynamic_gather %add3A_315[%gather3A_324] in [0] : vector<16xf32>, vector<16xi32> -> vector<16xf32>
      %add3A_326 = arith.addf %add3A_315, %gather3A_325 : vector<16xf32>
      %lt3A_327 = arith.constant 0 : i32
      %lt3A_328 = vector.broadcast %lt3A_327 : i32 to vector<16xi32>
      %lt3A_329 = arith.cmpi slt, %xor3A_133, %lt3A_328 : vector<16xi32>
      %add3A_330 = arith.constant 16 : i32
      %add3A_331 = vector.broadcast %add3A_330 : i32 to vector<16xi32>
      %add3A_332 = arith.addi %xor3A_133, %add3A_331 : vector<16xi32>
      %select_n3A_333 = arith.select %lt3A_329, %add3A_332, %xor3A_133 : vector<16xi1>, vector<16xi32>
      %broadcast_in_dim3A_334 = vector.shape_cast %select_n3A_333 : vector<16xi32> to vector<16x1xi32>
      %gather3A_335 = vector.shape_cast %broadcast_in_dim3A_334 : vector<16x1xi32> to vector<16xi32>
      %gather3A_336 = tpu.dynamic_gather %add3A_326[%gather3A_335] in [0] : vector<16xf32>, vector<16xi32> -> vector<16xf32>
      %add3A_337 = arith.addf %add3A_326, %gather3A_336 : vector<16xf32>
      %mul3A_338 = arith.constant 7.812500e-03 : f32
      %mul3A_339 = vector.broadcast %mul3A_338 : f32 to vector<16xf32>
      %mul3A_340 = arith.mulf %add3A_337, %mul3A_339 : vector<16xf32>
      %mul3A_341 = arith.mulf %mul3A_293, %mul3A_293 : vector<16xf32>
      %sub3A = arith.subf %mul3A_340, %mul3A_341 : vector<16xf32>
      %add3A_342 = arith.constant 9.99999996E-13 : f32
      %add3A_343 = vector.broadcast %add3A_342 : f32 to vector<16xf32>
      %add3A_344 = arith.addf %sub3A, %add3A_343 : vector<16xf32>
      %bitcast_convert_type3A = tpu.bitcast %add3A_344 : vector<16xf32> -> vector<16xi32>
      %shift_right_arithmetic3A = arith.constant 1 : i32
      %shift_right_arithmetic3A_345 = vector.broadcast %shift_right_arithmetic3A : i32 to vector<16xi32>
      %shift_right_arithmetic3A_346 = arith.shrsi %bitcast_convert_type3A, %shift_right_arithmetic3A_345 : vector<16xi32>
      %sub3A_347 = arith.constant 1597463007 : i32
      %sub3A_348 = vector.broadcast %sub3A_347 : i32 to vector<16xi32>
      %sub3A_349 = arith.subi %sub3A_348, %shift_right_arithmetic3A_346 : vector<16xi32>
      %bitcast_convert_type3A_350 = tpu.bitcast %sub3A_349 : vector<16xi32> -> vector<16xf32>
      %mul3A_351 = arith.constant 5.000000e-01 : f32
      %mul3A_352 = vector.broadcast %mul3A_351 : f32 to vector<16xf32>
      %mul3A_353 = arith.mulf %mul3A_352, %add3A_344 : vector<16xf32>
      %mul3A_354 = arith.mulf %mul3A_353, %bitcast_convert_type3A_350 : vector<16xf32>
      %mul3A_355 = arith.mulf %mul3A_354, %bitcast_convert_type3A_350 : vector<16xf32>
      %sub3A_356 = arith.constant 1.500000e+00 : f32
      %sub3A_357 = vector.broadcast %sub3A_356 : f32 to vector<16xf32>
      %sub3A_358 = arith.subf %sub3A_357, %mul3A_355 : vector<16xf32>
      %mul3A_359 = arith.mulf %bitcast_convert_type3A_350, %sub3A_358 : vector<16xf32>
      %mul3A_360 = arith.constant 5.000000e-01 : f32
      %mul3A_361 = vector.broadcast %mul3A_360 : f32 to vector<16xf32>
      %mul3A_362 = arith.mulf %mul3A_361, %add3A_344 : vector<16xf32>
      %mul3A_363 = arith.mulf %mul3A_362, %mul3A_359 : vector<16xf32>
      %mul3A_364 = arith.mulf %mul3A_363, %mul3A_359 : vector<16xf32>
      %sub3A_365 = arith.constant 1.500000e+00 : f32
      %sub3A_366 = vector.broadcast %sub3A_365 : f32 to vector<16xf32>
      %sub3A_367 = arith.subf %sub3A_366, %mul3A_364 : vector<16xf32>
      %mul3A_368 = arith.mulf %mul3A_359, %sub3A_367 : vector<16xf32>
      %mul3A_369 = arith.constant 5.000000e-01 : f32
      %mul3A_370 = vector.broadcast %mul3A_369 : f32 to vector<16xf32>
      %mul3A_371 = arith.mulf %mul3A_370, %add3A_344 : vector<16xf32>
      %mul3A_372 = arith.mulf %mul3A_371, %mul3A_368 : vector<16xf32>
      %mul3A_373 = arith.mulf %mul3A_372, %mul3A_368 : vector<16xf32>
      %sub3A_374 = arith.constant 1.500000e+00 : f32
      %sub3A_375 = vector.broadcast %sub3A_374 : f32 to vector<16xf32>
      %sub3A_376 = arith.subf %sub3A_375, %mul3A_373 : vector<16xf32>
      %mul3A_377 = arith.mulf %mul3A_368, %sub3A_376 : vector<16xf32>
      %sub3A_378 = arith.subf %add3A_153, %mul3A_293 : vector<16xf32>
      %mul3A_379 = arith.mulf %sub3A_378, %mul3A_377 : vector<16xf32>
      %mul3A_380 = arith.mulf %mul3A_379, %get3A_77 : vector<16xf32>
      %add3A_381 = arith.addf %mul3A_380, %get3A_101 : vector<16xf32>
      %swap3A = arith.index_cast %scan3A_140 : i32 to index
      %swap3A_382 = arith.constant 0 : index
      %swap3A_383 = tpu.vector_load %arg10[%swap3A, %swap3A_382] {strides = array<i32>} : memref<256x128xf32, #tpu.memory_space<vmem>>, vector<1x16xf32>,
      %swap3A_384 = vector.shape_cast %swap3A_383 : vector<1x16xf32> to vector<16xf32>
      %swap3A_385 = vector.shape_cast %add3A_381 : vector<16xf32> to vector<1x16xf32>
      tpu.vector_store %arg10[%swap3A, %swap3A_382], %swap3A_385 {strides = array<i32>} : memref<256x128xf32, #tpu.memory_space<vmem>>, vector<1x16xf32>,
      %sub3A_386 = arith.subf %add3A_166, %mul3A_293 : vector<16xf32>
      %mul3A_387 = arith.mulf %sub3A_386, %mul3A_377 : vector<16xf32>
      %mul3A_388 = arith.mulf %mul3A_387, %get3A_80 : vector<16xf32>
      %add3A_389 = arith.addf %mul3A_388, %get3A_104 : vector<16xf32>
      %swap3A_390 = arith.index_cast %scan3A_140 : i32 to index
      %swap3A_391 = arith.constant 16 : index
      %swap3A_392 = tpu.vector_load %arg10[%swap3A_390, %swap3A_391] {strides = array<i32>} : memref<256x128xf32, #tpu.memory_space<vmem>>, vector<1x16xf32>,
      %swap3A_393 = vector.shape_cast %swap3A_392 : vector<1x16xf32> to vector<16xf32>
      %swap3A_394 = vector.shape_cast %add3A_389 : vector<16xf32> to vector<1x16xf32>
      tpu.vector_store %arg10[%swap3A_390, %swap3A_391], %swap3A_394 {strides = array<i32>} : memref<256x128xf32, #tpu.memory_space<vmem>>, vector<1x16xf32>,
      %sub3A_395 = arith.subf %add3A_179, %mul3A_293 : vector<16xf32>
      %mul3A_396 = arith.mulf %sub3A_395, %mul3A_377 : vector<16xf32>
      %mul3A_397 = arith.mulf %mul3A_396, %get3A_83 : vector<16xf32>
      %add3A_398 = arith.addf %mul3A_397, %get3A_107 : vector<16xf32>
      %swap3A_399 = arith.index_cast %scan3A_140 : i32 to index
      %swap3A_400 = arith.constant 32 : index
      %swap3A_401 = tpu.vector_load %arg10[%swap3A_399, %swap3A_400] {strides = array<i32>} : memref<256x128xf32, #tpu.memory_space<vmem>>, vector<1x16xf32>,
      %swap3A_402 = vector.shape_cast %swap3A_401 : vector<1x16xf32> to vector<16xf32>
      %swap3A_403 = vector.shape_cast %add3A_398 : vector<16xf32> to vector<1x16xf32>
      tpu.vector_store %arg10[%swap3A_399, %swap3A_400], %swap3A_403 {strides = array<i32>} : memref<256x128xf32, #tpu.memory_space<vmem>>, vector<1x16xf32>,
      %sub3A_404 = arith.subf %add3A_192, %mul3A_293 : vector<16xf32>
      %mul3A_405 = arith.mulf %sub3A_404, %mul3A_377 : vector<16xf32>
      %mul3A_406 = arith.mulf %mul3A_405, %get3A_86 : vector<16xf32>
      %add3A_407 = arith.addf %mul3A_406, %get3A_110 : vector<16xf32>
      %swap3A_408 = arith.index_cast %scan3A_140 : i32 to index
      %swap3A_409 = arith.constant 48 : index
      %swap3A_410 = tpu.vector_load %arg10[%swap3A_408, %swap3A_409] {strides = array<i32>} : memref<256x128xf32, #tpu.memory_space<vmem>>, vector<1x16xf32>,
      %swap3A_411 = vector.shape_cast %swap3A_410 : vector<1x16xf32> to vector<16xf32>
      %swap3A_412 = vector.shape_cast %add3A_407 : vector<16xf32> to vector<1x16xf32>
      tpu.vector_store %arg10[%swap3A_408, %swap3A_409], %swap3A_412 {strides = array<i32>} : memref<256x128xf32, #tpu.memory_space<vmem>>, vector<1x16xf32>,
      %sub3A_413 = arith.subf %add3A_205, %mul3A_293 : vector<16xf32>
      %mul3A_414 = arith.mulf %sub3A_413, %mul3A_377 : vector<16xf32>
      %mul3A_415 = arith.mulf %mul3A_414, %get3A_89 : vector<16xf32>
      %add3A_416 = arith.addf %mul3A_415, %get3A_113 : vector<16xf32>
      %swap3A_417 = arith.index_cast %scan3A_140 : i32 to index
      %swap3A_418 = arith.constant 64 : index
      %swap3A_419 = tpu.vector_load %arg10[%swap3A_417, %swap3A_418] {strides = array<i32>} : memref<256x128xf32, #tpu.memory_space<vmem>>, vector<1x16xf32>,
      %swap3A_420 = vector.shape_cast %swap3A_419 : vector<1x16xf32> to vector<16xf32>
      %swap3A_421 = vector.shape_cast %add3A_416 : vector<16xf32> to vector<1x16xf32>
      tpu.vector_store %arg10[%swap3A_417, %swap3A_418], %swap3A_421 {strides = array<i32>} : memref<256x128xf32, #tpu.memory_space<vmem>>, vector<1x16xf32>,
      %sub3A_422 = arith.subf %add3A_218, %mul3A_293 : vector<16xf32>
      %mul3A_423 = arith.mulf %sub3A_422, %mul3A_377 : vector<16xf32>
      %mul3A_424 = arith.mulf %mul3A_423, %get3A_92 : vector<16xf32>
      %add3A_425 = arith.addf %mul3A_424, %get3A_116 : vector<16xf32>
      %swap3A_426 = arith.index_cast %scan3A_140 : i32 to index
      %swap3A_427 = arith.constant 80 : index
      %swap3A_428 = tpu.vector_load %arg10[%swap3A_426, %swap3A_427] {strides = array<i32>} : memref<256x128xf32, #tpu.memory_space<vmem>>, vector<1x16xf32>,
      %swap3A_429 = vector.shape_cast %swap3A_428 : vector<1x16xf32> to vector<16xf32>
      %swap3A_430 = vector.shape_cast %add3A_425 : vector<16xf32> to vector<1x16xf32>
      tpu.vector_store %arg10[%swap3A_426, %swap3A_427], %swap3A_430 {strides = array<i32>} : memref<256x128xf32, #tpu.memory_space<vmem>>, vector<1x16xf32>,
      %sub3A_431 = arith.subf %add3A_231, %mul3A_293 : vector<16xf32>
      %mul3A_432 = arith.mulf %sub3A_431, %mul3A_377 : vector<16xf32>
      %mul3A_433 = arith.mulf %mul3A_432, %get3A_95 : vector<16xf32>
      %add3A_434 = arith.addf %mul3A_433, %get3A_119 : vector<16xf32>
      %swap3A_435 = arith.index_cast %scan3A_140 : i32 to index
      %swap3A_436 = arith.constant 96 : index
      %swap3A_437 = tpu.vector_load %arg10[%swap3A_435, %swap3A_436] {strides = array<i32>} : memref<256x128xf32, #tpu.memory_space<vmem>>, vector<1x16xf32>,
      %swap3A_438 = vector.shape_cast %swap3A_437 : vector<1x16xf32> to vector<16xf32>
      %swap3A_439 = vector.shape_cast %add3A_434 : vector<16xf32> to vector<1x16xf32>
      tpu.vector_store %arg10[%swap3A_435, %swap3A_436], %swap3A_439 {strides = array<i32>} : memref<256x128xf32, #tpu.memory_space<vmem>>, vector<1x16xf32>,
      %sub3A_440 = arith.subf %add3A_244, %mul3A_293 : vector<16xf32>
      %mul3A_441 = arith.mulf %sub3A_440, %mul3A_377 : vector<16xf32>
      %mul3A_442 = arith.mulf %mul3A_441, %get3A_98 : vector<16xf32>
      %add3A_443 = arith.addf %mul3A_442, %get3A_122 : vector<16xf32>
      %swap3A_444 = arith.index_cast %scan3A_140 : i32 to index
      %swap3A_445 = arith.constant 112 : index
      %swap3A_446 = tpu.vector_load %arg10[%swap3A_444, %swap3A_445] {strides = array<i32>} : memref<256x128xf32, #tpu.memory_space<vmem>>, vector<1x16xf32>,
      %swap3A_447 = vector.shape_cast %swap3A_446 : vector<1x16xf32> to vector<16xf32>
      %swap3A_448 = vector.shape_cast %add3A_443 : vector<16xf32> to vector<1x16xf32>
      tpu.vector_store %arg10[%swap3A_444, %swap3A_445], %swap3A_448 {strides = array<i32>} : memref<256x128xf32, #tpu.memory_space<vmem>>, vector<1x16xf32>,
    }
    %scan3A_137 = arith.constant 256 : i32
    %mul3A_138 = arith.constant 256 : i32
    %mul3A_139 = arith.muli %add3A, %mul3A_138 : i32
    "tpu.region"() ({
      %run_scoped3A_140 = tpu.sem_alloc : memref<!tpu.dma_semaphore, #tpu.memory_space<semaphore_mem>>
      %dma_start3A_141 = arith.constant 0 : i32
      %dma_start3A_142 = tpu.memref_slice %arg8[%mul3A_139, %dma_start3A_141] : memref<8192x128xf32, #tpu.memory_space<hbm>> -> memref<256x128xf32, #tpu.memory_space<hbm>>
      %dma_start3A_143 = arith.constant 0 : i32
      %dma_start3A_144 = tpu.memref_slice %arg8[%mul3A_139, %dma_start3A_143] : memref<8192x128xf32, #tpu.memory_space<hbm>> -> memref<256x128xf32, #tpu.memory_space<hbm>>
      tpu.enqueue_dma source(%arg10 : memref<256x128xf32, #tpu.memory_space<vmem>>) target(%dma_start3A_144 : memref<256x128xf32, #tpu.memory_space<hbm>>) target_semaphore(%run_scoped3A_140 : memref<!tpu.dma_semaphore, #tpu.memory_space<semaphore_mem>>)
      %dma_wait3A_145 = arith.constant 0 : i32
      %dma_wait3A_146 = tpu.memref_slice %arg8[%mul3A_139, %dma_wait3A_145] : memref<8192x128xf32, #tpu.memory_space<hbm>> -> memref<256x128xf32, #tpu.memory_space<hbm>>
      %dma_wait3A_147 = arith.constant 0 : i32
      %dma_wait3A_148 = tpu.memref_slice %arg8[%mul3A_139, %dma_wait3A_147] : memref<8192x128xf32, #tpu.memory_space<hbm>> -> memref<256x128xf32, #tpu.memory_space<hbm>>
      tpu.wait_dma2 semaphore(%run_scoped3A_140 : memref<!tpu.dma_semaphore, #tpu.memory_space<semaphore_mem>>) src(%arg10 : memref<256x128xf32, #tpu.memory_space<vmem>>) dst(%dma_wait3A_148 : memref<256x128xf32, #tpu.memory_space<hbm>>)
      tpu.yield
    }) : () -> ()
    return
  }
}

</mosaic_0001>

<sc_bundles>
// kernel: kernel.3.cloned.1.call-start
scs
__scs_entry_jumppad:
0x0: {  	(pc) =	sbr.rel $0x88, $3  }
0x1: {  	(tag) =	ssettag $0x0;
	lr =	simm.s32 $0x1  }
0x2: {  	[smem:$0x3F9B] =	sst lr;
	_ =	strace $0xD0000000  }
0x3: {  	_ = 	snop  }
0x4: {  	_ = 	snop  }
0x5: {  	_ = 	snop  }
0x6: {  	_ = 	snop  }
0x7: {  	_ = 	snop  }
__scs_overlays_trampoline_lowered:
0x8: {  	[smem:$0x3FAA] =	sst s0  }
0x9: {  	[smem:$0x3FAB] =	sst s1  }
0xa: {  	[smem:$0x3FAC] =	sst s2  }
0xb: {  	[smem:$0x3FAD] =	sst s3  }
0xc: {  	[smem:$0x3FAE] =	sst s4  }
0xd: {  	[smem:$0x3FAF] =	sst s5  }
0xe: {  	[smem:$0x3FB0] =	sst s6  }
0xf: {  	[smem:$0x3FB1] =	sst s7  }
0x10: {  	[smem:$0x3FB2] =	sst s8  }
0x11: {  	[smem:$0x3FB3] =	sst s9;
	s0 =	simm.s32 @!p0 $0x0  }
0x12: {  	s1 =	sld [smem:$0x3F99];
	s0 =	simm.s32 @p0 $0x1  }
0x13: {  	[smem:$0x3FB4] =	sst s0;
	s0 =	simm.s32 @!p1 $0x0  }
0x14: {  	s2 =	sld [smem:$0x3F98];
	s0 =	simm.s32 @p1 $0x1  }
0x15: {  	[smem:$0x3FB5] =	sst s0;
	s0 =	simm.s32 @!p2 $0x0  }
0x16: {  	s3 =	sld [smem:$0x3FDB];
	s0 =	simm.s32 @p2 $0x1  }
0x17: {  	s4 =	simm.s32 $0x1BF5;
	[smem:$0x3FB7] =	sst s0  }
0x18: {  	s0 =	sld [smem:$0x3F9A];
	_ =	swait.ge [sflag:s4], $0x0  }
0x19: {  	s7 =	sld [smem:$0x3F9B]  }
0x1a: {  	s8 =	sadd.s32 $0xFFFFE003, lr  }
0x1b: {  	s9 =	sadd.s32 $0xFFFFFEF7, lr;
	s5 =	simm.s32 $0xFFFFFFFF;
	p2 =	slt.u32 s8, $0xFFFFF086  }
0x1c: {  	p1 =	slt.u32 s9, $0xF7A;
	s5 =	simm.s32 @!p2 $0x0  }
0x1d: {  	s5 =	simm.s32 @p1 $0x1;
	p0 =	seq.s32 s7, s2  }
0x1e: {  	s7 =	smul.u32 @!p0 $0xF7A, s2;
	p2 =	seq.s32 @!p0 s5, $0x0  }
0x1f: {  	s9 =	smul.u32 $0xF7A, s1;
	s8 =	simm.s32 @!p0 $0x1BF5;
	p2 =	por !p2, p0  }
0x20: {  	[sflag:s8] =	ssyncset.s32 @!p0 $0xFFFFF086;
	s6 =	sadd.s32 @!p0 s3, s7;
	s7 =	simm.s32 @!p0 $0x108  }
0x21: {  	s3 =	sadd.s32 s3, s9;
	s6 =	sadd.s32 @!p0 $0x88, s6;
	s7 =	simm.s32 @p2 $0x1082  }
0x22: {  	[simem:s7], [sflag:s8] =	dma.local @!p0 [hbm:s6], $0xF7A  }
0x23: {  	s9 =	sor.u32 $0xD0000000, s2;
	s6 =	simm.s32 $0x108;
	_ =	swait.ge @!p0 [sflag:s8], $0x0  }
0x24: {  	s3 =	sadd.s32 $0x88, s3;
	s6 =	simm.s32 @!p1 $0x1082;
	[sflag:s4] =	ssyncset.s32 $0xFFFFF086  }
0x25: {  	[simem:s6], [sflag:s4] =	dma.local [hbm:s3], $0xF7A  }
0x26: {  	[smem:$0x3F9B] =	sst s1;
	(tag) =	ssettag s2;
	_ =	strace s9  }
0x27: {  	s1 =	sld [smem:$0x3FAB]  }
0x28: {  	s2 =	sld [smem:$0x3FAC]  }
0x29: {  	s4 =	sld [smem:$0x3FAE]  }
0x2a: {  	p0 =	seq.s32 s5, $0x0;
	s5 =	sld [smem:$0x3FAF]  }
0x2b: {  	s6 =	sld [smem:$0x3FB0]  }
0x2c: {  	s7 =	sld [smem:$0x3FB1]  }
0x2d: {  	s3 =	simm.s32 $0x108;
	s8 =	sld [smem:$0x3FB2]  }
0x2e: {  	s3 =	simm.s32 @!p0 $0x1082;
	s9 =	sld [smem:$0x3FB3]  }
0x2f: {  	lr =	sadd.s32 s0, s3;
	s0 =	sld [smem:$0x3FAA]  }
0x30: {  	s3 =	sld [smem:$0x3FAD]  }
0x31: {  	[smem:$0x3FB6] =	sst s10  }
0x32: {  	s10 =	sld [smem:$0x3FB4];
	_ =	sdelay $0x3  }
0x33: {  	p0 =	seq.s32 s10, $0x1;
	s10 =	sld [smem:$0x3FB6];
	_ =	sdelay $0x3  }
0x34: {  	[smem:$0x3FB6] =	sst s10  }
0x35: {  	s10 =	sld [smem:$0x3FB5];
	_ =	sdelay $0x3  }
0x36: {  	p1 =	seq.s32 s10, $0x1;
	s10 =	sld [smem:$0x3FB6];
	_ =	sdelay $0x3  }
0x37: {  	[smem:$0x3FB6] =	sst s10  }
0x38: {  	s10 =	sld [smem:$0x3FB7]  }
0x39: {  	_ = 	snop;
	(pc) =	sbr.ind lr, $3  }
0x3a: {  	_ = 	snop  }
0x3b: {  	_ = 	snop  }
0x3c: {  	p2 =	seq.s32 s10, $0x1;
	s10 =	sld [smem:$0x3FB6]  }
0x3d: {  	_ =	shalt  }
0x3e: {  	_ =	shalt  }
0x3f: {  	_ =	shalt  }
0x40: {  	_ =	shalt  }
0x41: {  	_ =	shalt  }
0x42: {  	_ =	shalt  }
0x43: {  	_ =	shalt  }
0x44: {  	_ =	shalt  }
0x45: {  	_ =	shalt  }
0x46: {  	_ =	shalt  }
0x47: {  	_ =	shalt  }
0x48: {  	_ =	shalt  }
0x49: {  	_ =	shalt  }
0x4a: {  	_ =	shalt  }
0x4b: {  	_ =	shalt  }
0x4c: {  	_ =	shalt  }
0x4d: {  	_ =	shalt  }
0x4e: {  	_ =	shalt  }
0x4f: {  	_ =	shalt  }
0x50: {  	_ =	shalt  }
0x51: {  	_ =	shalt  }
0x52: {  	_ =	shalt  }
0x53: {  	_ =	shalt  }
0x54: {  	_ =	shalt  }
0x55: {  	_ =	shalt  }
0x56: {  	_ =	shalt  }
0x57: {  	_ =	shalt  }
0x58: {  	_ =	shalt  }
0x59: {  	_ =	shalt  }
0x5a: {  	_ =	shalt  }
0x5b: {  	_ =	shalt  }
0x5c: {  	_ =	shalt  }
0x5d: {  	_ =	shalt  }
0x5e: {  	_ =	shalt  }
0x5f: {  	_ =	shalt  }
0x60: {  	_ =	shalt  }
0x61: {  	_ =	shalt  }
0x62: {  	_ =	shalt  }
0x63: {  	_ =	shalt  }
0x64: {  	_ =	shalt  }
0x65: {  	_ =	shalt  }
0x66: {  	_ =	shalt  }
0x67: {  	_ =	shalt  }
0x68: {  	_ =	shalt  }
0x69: {  	_ =	shalt  }
0x6a: {  	_ =	shalt  }
0x6b: {  	_ =	shalt  }
0x6c: {  	_ =	shalt  }
0x6d: {  	_ =	shalt  }
0x6e: {  	_ =	shalt  }
0x6f: {  	_ =	shalt  }
0x70: {  	_ =	shalt  }
0x71: {  	_ =	shalt  }
0x72: {  	_ =	shalt  }
0x73: {  	_ =	shalt  }
0x74: {  	_ =	shalt  }
0x75: {  	_ =	shalt  }
0x76: {  	_ =	shalt  }
0x77: {  	_ =	shalt  }
0x78: {  	_ =	shalt  }
0x79: {  	_ =	shalt  }
0x7a: {  	_ =	shalt  }
0x7b: {  	_ =	shalt  }
0x7c: {  	_ =	shalt  }
0x7d: {  	_ =	shalt  }
0x7e: {  	_ =	shalt  }
0x7f: {  	_ =	shalt  }
0x80: {  	_ =	shalt  }
0x81: {  	_ =	shalt  }
0x82: {  	_ =	shalt  }
0x83: {  	_ =	shalt  }
0x84: {  	_ =	shalt  }
0x85: {  	_ =	shalt  }
0x86: {  	_ =	shalt  }
0x87: {  	_ =	shalt  }
.Lfunc_end0:
.L_simem_size_0:
called_computation_lowered:
.L_overlay_start_0:
0x88: {  	s2 =	sld [smem:$0x3FD9]  }
0x89: {  	s3 =	sld [smem:$0x3FFE];
	_ =	sdelay $0x1  }
0x8a: {  	s1 =	srdreg.scid  }
0x8b: {  	s0 =	sand.u32 $0x1, s1  }
0x8c: {  	s17 =	sshll.u32 s0, $0xA;
	s2 =	sadd.s32 s3, s2  }
0x8d: {  	s2 =	sadd.s32 s2, s17  }
0x8e: {  	[smem:$0x3FC2] =	sst s2  }
0x8f: {  	_ = 	snop  }
0x90: {  	s2 =	sld [smem:$0x3FC8]  }
0x91: {  	s18 =	sld [smem:$0x3FC7]  }
0x92: {  	s4 =	sld [smem:$0x3FC6]  }
0x93: {  	s5 =	sld [smem:$0x3FC5]  }
0x94: {  	s6 =	sld [smem:$0x3FC4]  }
0x95: {  	s7 =	sld [smem:$0x3FD0];
	(tm) =	ssettm $0x1  }
0x96: {  	s8 =	sld [smem:$0x3FFB];
	_ =	sdelay $0x3  }
0x97: {  	_ =	strace s8  }
0x98: {  	s8 =	sld [smem:$0x3FFC];
	_ =	sdelay $0x3  }
0x99: {  	_ =	strace s8  }
0x9a: {  	s8 =	sld [smem:$0x3FFD];
	_ =	sdelay $0x3  }
0x9b: {  	_ =	strace s8  }
0x9c: {  	_ =	strace $0x8FFFFFFF  }
0x9d: {  	s19 =	sld [smem:$0x3FDB];
	_ =	sdelay $0x1  }
0x9e: {  	s9 =	simm.s32 $_scs_section_size  }
0x9f: {  	s10 =	simm.s32 $_size__tile_overlayer_lowered;
	s11 =	simm.s32 $_tile_overlayer_lowered  }
0xa0: {  	s22 =	simm.s32 $0x1BFF;
	s21 =	sshll.u32 s11, $0x1;
	s8 =	sadd.s32 s9, s19  }
0xa1: {  	s12 =	simm.s32 $0x0;
	s20 =	sshll.u32 s10, $0x1;
	s10 =	sadd.s32 s21, s8  }
0xa2: {  	[timem:s12], [sflag:s22] =	dma.local [hbm:s10], s20  }
0xa3: {  	_ =	swait.ge [sflag:s22], s20  }
0xa4: {  	s9 =	ssub.s32 $0x0, s20;
	[sflag:s22] =	ssyncset.done $0x0  }
0xa5: {  	[sflag:s22] =	ssyncadd.s32 s9;
	_ =	sdelay $0x1  }
0xa6: {  	s23 =	simm.s32 $0x1B8B  }
0xa7: {  	_ =	swait.ge [sflag:s23], $0x1  }
0xa8: {  	[sflag:s23] =	ssyncset.done $0x0  }
0xa9: {  	s25 =	simm.s32 $0x1B8E;
	s24 =	sld [smem:$0x3FFE];
	[sflag:s23] =	ssyncadd.s32 $0xFFFFFFFF  }
0xaa: {  	s26 =	simm.s32 $execute0_lowered;
	[smem:$0x3FD2] =	sst s25  }
0xab: {  	s10 =	sshll.u32 s26, $0x1;
	_ =	strace $0x80000046;
	[dreg:$0x1] =	wrdreg $0xFFFFFFFF  }
0xac: {  	s28 =	simm.s32 $_size_execute0_lowered;
	s8 =	sadd.s32 s8, s10;
	[dreg:$0x0] =	wrdreg $0x0  }
0xad: {  	s10 =	sshll.u32 s28, $0x1;
	[dreg:$0x2] =	wrdreg s8  }
0xae: {  	[dreg:$0x3] =	wrdreg s10  }
0xaf: {  	[dreg:$0x4] =	wrdreg $0xC0  }
0xb0: {  	_ =	task [dreg:s12], $0x5FFFF  }
0xb1: {  	[dreg:$0x1] =	wrdreg $0xFFFFFFFF  }
0xb2: {  	[dreg:$0x0] =	wrdreg $0x60  }
0xb3: {  	[dreg:$0x2] =	wrdreg s24  }
0xb4: {  	[dreg:$0x3] =	wrdreg s2  }
0xb5: {  	[dreg:$0x4] =	wrdreg s18  }
0xb6: {  	[dreg:$0x5] =	wrdreg s4  }
0xb7: {  	[dreg:$0x6] =	wrdreg s5  }
0xb8: {  	[dreg:$0x7] =	wrdreg s6  }
0xb9: {  	[dreg:$0x8] =	wrdreg s7  }
0xba: {  	[dreg:$0x9] =	wrdreg $0x9  }
0xbb: {  	_ =	task.clear_ibuf [dreg:s12], $0xAFFFF;
	_ =	strace $0x90000046  }
0xbc: {  	s29 =	simm.s32 $0x9;
	_ =	strace $0x80000048  }
0xbd: {  	_ =	swait.ge [sflag:s29], $0x1  }
0xbe: {  	[sflag:s29] =	ssyncadd.s32 $0xFFFFFFFF  }
0xbf: {  	_ =	strace $0x90000048  }
0xc0: {  	_ =	sfence  }
0xc1: {  	s30 =	sld [smem:$0x0];
	_ =	sdelay $0x2  }
0xc2: {  	s31 =	sshll.u32 s1, $0xD;
	s1 =	sshrl.u32 s1, $0x2  }
0xc3: {  	s3 =	sand.u32 $0x4000, s31;
	s1 =	sadd.s32 s1, s30  }
0xc4: {  	s0 =	sor.u32 s3, s0;
	s1 =	sshll.u32 s1, $0x11  }
0xc5: {  	s0 =	sor.u32 s1, s0  }
0xc6: {  	s0 =	sadd.s32 $0x8F2B, s0  }
0xc7: {  	[sflag:s0] =	ssyncadd.remote.s32 $0x1  }
0xc8: {  	_ =	sfence.sel $0xFFFF  }
0xc9: {  	[dreg:$0x0] =	wrdreg $0xFFFFFFFF;
	(pc) =	sbr.abs _section_cstart, $3  }
0xca: {  	[dreg:$0x1] =	wrdreg $0xFFFFFFFF  }
0xcb: {  	_ =	task.clear_ibuf [dreg:s12], $0x2FFFF;
	_ =	strace $0x9FFFFFFF  }
0xcc: {  	(tm) =	ssettm $0x7FFFFFFF  }
0xcd: {  	_ =	shalt  }
tec
execute0_lowered:
.L_overlay_start_1:
0x0: {  	(tag) =	ssettag $0x1  }
0x1: {  	s7 =	rddreg [dreg:$0x0]  }
0x2: {  	s0 =	rddreg [dreg:$0x1]  }
0x3: {  	s8 =	rddreg [dreg:$0x2]  }
0x4: {  	s2 =	rddreg [dreg:$0x3]  }
0x5: {  	s3 =	rddreg [dreg:$0x4]  }
0x6: {  	s4 =	rddreg [dreg:$0x5];
	v0 =	vimm.s32 $0xFEDCBA98;
	v1 =	vimm.s32 $0x76543210  }
0x7: {  	s9 =	rddreg [dreg:$0x6];
	v2 =	vimm.s32 $0xBA98FEDC;
	v3 =	vimm.s32 $0x32107654;
	v4 =	vimm.s32 $0xDCFE98BA  }
0x8: {  	s1 =	rddreg [dreg:$0x7];
	s5 =	simm.s32 $0x0;
	s10 =	srdreg.scid;
	v5 =	vimm.s32 $0x54761032;
	v6 =	vimm.s32 $0xEFCDAB89;
	v7 =	vimm.s32 $0x67452301  }
0x9: {  	s6 =	stileid.u32;
	s14 =	simm.s32 $0x4100;
	s15 =	simm.s32 $0x8100;
	v0 =	vunpack.c.l.s4.s8 v0;
	v1 =	vunpack.c.l.s4.s8 v1;
	v2 =	vunpack.c.l.s4.s8 v2  }
0xa: {  	s16 =	simm.s32 $0x10100;
	s17 =	simm.s32 $0x10180;
	s18 =	simm.s32 $0x10200;
	v3 =	vunpack.c.l.s4.s8 v3;
	v4 =	vunpack.c.l.s4.s8 v4;
	v5 =	vunpack.c.l.s4.s8 v5  }
0xb: {  	s19 =	simm.s32 $0x1;
	s10 =	sand.u32 $0x1, s10;
	s11 =	sshll.u32 s6, $0x1;
	v6 =	vunpack.c.l.s4.s8 v6;
	v7 =	vunpack.c.l.s4.s8 v7;
	v0 =	vunpack.c.0.s8.s32 v0  }
0xc: {  	s20 =	simm.s32 $0x0;
	[smem:$0x7FF] =	sst s5;
	s11 =	sor.u32 s10, s11;
	v2 =	vunpack.c.0.s8.s32 v2;
	v3 =	vunpack.c.0.s8.s32 v3;
	v4 =	vunpack.c.0.s8.s32 v4  }
0xd: {  	_ =	strace $0x80000047;
	s10 =	ssub.s32 $0x2, s10;
	s12 =	sshll.u32 s11, $0x5;
	v5 =	vunpack.c.0.s8.s32 v5;
	v6 =	vunpack.c.0.s8.s32 v6;
	v7 =	vunpack.c.0.s8.s32 v7  }
0xe: {  	s11 =	sshll.u32 s11, $0xC;
	s31 =	sshrl.u32 s10, $0x1;
	v1 =	vunpack.c.0.s8.s32 v1;
	s7 =	sadd.s32 s12, s7;
	v2 =	vcombine.low v3, v2  }
0xf: {  	s13 =	sand.u32 $0x7000, s11;
	s10 =	ssub.s32 s10, s31;
	s9 =	sadd.s32 s9, s11;
	v3 =	vcombine.low v5, v4;
	v4 =	vcombine.low v7, v6;
	v0 =	vand.u32 $0xF, v0  }
0x10: {  	s11 =	simm.s32 $0x2;
	s12 =	simm.s32 $0x80;
	s7 =	sadd.s32 $0x400, s7;
	v0 =	vcombine.low v0, v1  }
0x11: {  	s8 =	sadd.s32 s8, s13;
	s10 =	smax.u32 s10, $0x1;
	s13 =	simm.s32 $0x100;
	v1 =	vand.u32 $0xF, v2;
	v2 =	vand.u32 $0xF, v3;
	v3 =	vand.u32 $0xF, v4  }
.LBB2_1:
0x12: {  	[tilespmem:s5], [sflag:$0x2] =	stream.linear.gather [hbm4b:s7+s5], $0x100, $0x38;
	[tilespmem:$0x10280] =	vst v63  }
0x13: {  	_ =	swait.ge [sflag:s11], $0x100  }
0x14: {  	[sflag:s11] =	ssyncset.done $0x0  }
0x15: {  	[sflag:s11] =	ssyncadd.s32 $0xFFFFFF00  }
0x16: {  	[tilespmem:s13], [sflag:$0x1] =	stream.indirect.gather [hbm4b:s0+s12], $0x80, s5, s12, $0xb8;
	[tilespmem:$0x10280] =	vst v63  }
0x17: {  	_ = 	snop  }
0x18: {  	[tilespmem:s14], [sflag:$0x1] =	stream.indirect.gather [hbm4b:s0+s12], $0x80, s12, s12, $0xb8;
	[tilespmem:$0x10280] =	vst v63  }
0x19: {  	_ = 	snop  }
0x1a: {  	[tilespmem:s15], [sflag:$0x2] =	stream.linear.gather [hbm4b:s8+s5], $0x8000, $0x38;
	[tilespmem:$0x10280] =	vst v63  }
0x1b: {  	_ =	swait.ge [sflag:s11], $0x8000  }
0x1c: {  	[sflag:s11] =	ssyncset.done $0x0  }
0x1d: {  	[sflag:s11] =	ssyncadd.s32 $0xFFFF8000  }
0x1e: {  	[tilespmem:s16], [sflag:$0x2] =	stream.linear.gather [hbm4b:s2+s5], $0x80, $0x38;
	[tilespmem:$0x10280] =	vst v63  }
0x1f: {  	_ =	swait.ge [sflag:s11], $0x80  }
0x20: {  	[sflag:s11] =	ssyncset.done $0x0  }
0x21: {  	[sflag:s11] =	ssyncadd.s32 $0xFFFFFF80  }
0x22: {  	[tilespmem:s17], [sflag:$0x2] =	stream.linear.gather [hbm4b:s3+s5], $0x80, $0x38;
	[tilespmem:$0x10280] =	vst v63  }
0x23: {  	_ =	swait.ge [sflag:s11], $0x80  }
0x24: {  	[sflag:s11] =	ssyncset.done $0x0  }
0x25: {  	[sflag:s11] =	ssyncadd.s32 $0xFFFFFF80  }
0x26: {  	[tilespmem:s18], [sflag:$0x2] =	stream.linear.gather [hbm4b:s4+s5], $0x80, $0x38;
	[tilespmem:$0x10280] =	vst v63  }
0x27: {  	_ =	swait.ge [sflag:s11], $0x80  }
0x28: {  	[sflag:s11] =	ssyncset.done $0x0  }
0x29: {  	[sflag:s11] =	ssyncadd.s32 $0xFFFFFF80  }
0x2a: {  	_ =	swait.ge [sflag:s19], $0x4000  }
0x2b: {  	[sflag:s19] =	ssyncset.done $0x0  }
0x2c: {  	[sflag:s19] =	ssyncadd.s32 $0xFFFFC000  }
0x2d: {  	_ =	swait.ge [sflag:s19], $0x4000  }
0x2e: {  	[sflag:s19] =	ssyncset.done $0x0  }
0x2f: {  	[sflag:s19] =	ssyncadd.s32 $0xFFFFC000  }
0x30: {  	v4 =	vld [tilespmem:$0x10100]  }
0x31: {  	v5 =	vld [tilespmem:$0x10110]  }
0x32: {  	v6 =	vld [tilespmem:$0x10120]  }
0x33: {  	s21 =	simm.s32 $0x0;
	v7 =	vld [tilespmem:$0x10130]  }
0x34: {  	v9 =	vld [tilespmem:s21+$0x8110]  }
0x35: {  	v10 =	vld [tilespmem:s21+$0x8140]  }
0x36: {  	v11 =	vld [tilespmem:s21+$0x8100]  }
0x37: {  	v12 =	vld [tilespmem:s21+$0x100]  }
0x38: {  	v13 =	vld [tilespmem:s21+$0x110]  }
0x39: {  	v14 =	vld [tilespmem:s21+$0x8120]  }
0x3a: {  	v15 =	vld [tilespmem:s21+$0x120]  }
0x3b: {  	v17 =	vld [tilespmem:s21+$0x140]  }
0x3c: {  	v16 =	vld [tilespmem:s21+$0x130]  }
0x3d: {  	v11 =	vadd.f32 v11, v12;
	v12 =	vld [tilespmem:s21+$0x8130]  }
0x3e: {  	v8 =	vld [tilespmem:$0x10140];
	v9 =	vadd.f32 v9, v13  }
0x3f: {  	v13 =	vld [tilespmem:s21+$0x8150];
	v14 =	vadd.f32 v14, v15;
	v28 =	vadd.f32 v11, v4  }
0x40: {  	v10 =	vadd.f32 v10, v17;
	v11 =	vld [tilespmem:s21+$0x150];
	v29 =	vadd.f32 v9, v5  }
0x41: {  	v17 =	vld [tilespmem:s21+$0x8160];
	v31 =	vadd.f32 v14, v6;
	v15 =	vadd.f32 $0.0e+00, v28  }
0x42: {  	v9 =	vld [tilespmem:$0x10150];
	v18 =	vmul.f32 v28, v28;
	v19 =	vmul.f32 v29, v29;
	v12 =	vadd.f32 v12, v16  }
0x43: {  	v14 =	vld [tilespmem:s21+$0x160];
	v15 =	vadd.f32 v29, v15  }
0x44: {  	v16 =	vld [tilespmem:$0x10160];
	v30 =	vadd.f32 v12, v7;
	v12 =	vadd.f32 v19, v18;
	v18 =	vmul.f32 v31, v31  }
0x45: {  	v11 =	vadd.f32 v13, v11;
	v13 =	vadd.f32 v31, v15;
	v15 =	vld [tilespmem:s21+$0x170]  }
0x46: {  	v32 =	vadd.f32 v10, v8;
	v10 =	vadd.f32 v18, v12;
	v12 =	vmul.f32 v30, v30;
	v18 =	vld [tilespmem:s21+$0x8170]  }
0x47: {  	v33 =	vadd.f32 v11, v9;
	v13 =	vadd.f32 v30, v13  }
0x48: {  	v25 =	vld [tilespmem:$0x10170];
	v11 =	vadd.f32 v17, v14;
	v10 =	vadd.f32 v12, v10;
	v12 =	vmul.f32 v32, v32  }
0x49: {  	v13 =	vadd.f32 v32, v13  }
0x4a: {  	v34 =	vadd.f32 v11, v16;
	v11 =	vmul.f32 v33, v33;
	v10 =	vadd.f32 v12, v10  }
0x4b: {  	v12 =	vadd.f32 v33, v13;
	v13 =	vadd.f32 v18, v15  }
0x4c: {  	v10 =	vadd.f32 v11, v10  }
0x4d: {  	v11 =	vadd.f32 v34, v12;
	v12 =	vmul.f32 v34, v34;
	v35 =	vadd.f32 v13, v25;
	_ =	sdelay $0x1  }
0x4e: {  	v10 =	vadd.f32 v12, v10;
	v11 =	vadd.f32 v35, v11;
	v12 =	vmul.f32 v35, v35;
	_ =	sdelay $0x1  }
0x4f: {  	v10 =	vadd.f32 v12, v10;
	v12 =	vperm.xlane v11, v0  }
0x50: {  	v22 =	vld [tilespmem:$0x101C0]  }
0x51: {  	v26 =	vld [tilespmem:$0x10200];
	v11 =	vadd.f32 v11, v12;
	v12 =	vperm.xlane v10, v0  }
0x52: {  	v23 =	vld [tilespmem:$0x10210]  }
0x53: {  	v24 =	vld [tilespmem:$0x10220];
	v18 =	vperm.xlane v11, v1;
	v19 =	vadd.f32 v12, v10  }
0x54: {  	v27 =	vld [tilespmem:$0x10240]  }
0x55: {  	v17 =	vld [tilespmem:$0x10180];
	v18 =	vadd.f32 v11, v18;
	v20 =	vperm.xlane v19, v1  }
0x56: {  	v14 =	vld [tilespmem:$0x10190]  }
0x57: {  	v15 =	vld [tilespmem:$0x101A0];
	v21 =	vperm.xlane v18, v2;
	v19 =	vadd.f32 v20, v19  }
0x58: {  	v13 =	vld [tilespmem:$0x101B0]  }
0x59: {  	v10 =	vld [tilespmem:$0x101D0];
	v20 =	vadd.f32 v18, v21;
	v21 =	vperm.xlane v19, v2  }
0x5a: {  	v12 =	vld [tilespmem:$0x101F0]  }
0x5b: {  	v11 =	vld [tilespmem:$0x101E0];
	v36 =	vperm.xlane v20, v3;
	v37 =	vadd.f32 v21, v19  }
0x5c: {  	v18 =	vld [tilespmem:$0x10230]  }
0x5d: {  	v19 =	vld [tilespmem:$0x10250];
	v36 =	vadd.f32 v20, v36;
	v38 =	vperm.xlane v37, v3  }
0x5e: {  	v21 =	vld [tilespmem:$0x10270]  }
0x5f: {  	s22 =	simm.s32 $0x200;
	v20 =	vld [tilespmem:$0x10260];
	v36 =	vmul.f32 $7.812500000e-03, v36;
	v37 =	vadd.f32 v38, v37  }
.LBB2_2:
0x60: {  	_ = 	snop  }
0x61: {  	p0 =	sne.s32 s22, $0x1FE00;
	s23 =	smov.u32 s22;
	s22 =	sadd.s32 $0x200, s22;
	v37 =	vmul.f32 $7.812500000e-03, v37;
	v38 =	vmul.f32 v36, v36  }
0x62: {  	s23 =	sshra.s32 s23, $0x2  }
0x63: {  	v39 =	vld [tilespmem:s23+$0x8110];
	v37 =	vsub.f32 v37, v38;
	_ =	sdelay $0x1  }
0x64: {  	v37 =	vadd.f32 $9.999999960e-13, v37;
	_ =	sdelay $0x1  }
0x65: {  	v38 =	vshra.s32 v37, $0x1;
	v37 =	vmul.f32 $5.000000000e-01, v37  }
0x66: {  	v38 =	vsub.s32 $0x5F3759DF, v38  }
0x67: {  	v40 =	vmul.f32 v38, v37;
	_ =	sdelay $0x1  }
0x68: {  	v40 =	vmul.f32 v38, v40;
	_ =	sdelay $0x1  }
0x69: {  	v40 =	vsub.f32 $1.500000000e+00, v40;
	_ =	sdelay $0x1  }
0x6a: {  	v38 =	vmul.f32 v38, v40;
	_ =	sdelay $0x1  }
0x6b: {  	v40 =	vmul.f32 v38, v37;
	_ =	sdelay $0x1  }
0x6c: {  	v40 =	vmul.f32 v40, v38;
	_ =	sdelay $0x1  }
0x6d: {  	v40 =	vsub.f32 $1.500000000e+00, v40;
	_ =	sdelay $0x1  }
0x6e: {  	v38 =	vmul.f32 v40, v38;
	_ =	sdelay $0x1  }
0x6f: {  	v37 =	vmul.f32 v38, v37;
	_ =	sdelay $0x1  }
0x70: {  	v37 =	vmul.f32 v37, v38;
	_ =	sdelay $0x1  }
0x71: {  	v37 =	vsub.f32 $1.500000000e+00, v37;
	_ =	sdelay $0x1  }
0x72: {  	v28 =	vsub.f32 v28, v36;
	v31 =	vsub.f32 v31, v36;
	v37 =	vmul.f32 v37, v38  }
0x73: {  	v29 =	vsub.f32 v29, v36;
	v32 =	vsub.f32 v32, v36  }
0x74: {  	v33 =	vsub.f32 v33, v36;
	v28 =	vmul.f32 v37, v28;
	v31 =	vmul.f32 v37, v31  }
0x75: {  	v34 =	vsub.f32 v34, v36;
	v29 =	vmul.f32 v37, v29;
	v32 =	vmul.f32 v37, v32  }
0x76: {  	v30 =	vsub.f32 v30, v36;
	v33 =	vmul.f32 v37, v33;
	v28 =	vmul.f32 v28, v17  }
0x77: {  	v35 =	vsub.f32 v35, v36;
	v31 =	vmul.f32 v31, v15;
	v32 =	vmul.f32 v32, v22  }
0x78: {  	v30 =	vmul.f32 v37, v30;
	v29 =	vmul.f32 v29, v14;
	v36 =	vld [tilespmem:s23+$0x8150];
	v28 =	vadd.f32 v28, v26  }
0x79: {  	v35 =	vmul.f32 v37, v35;
	v31 =	vadd.f32 v31, v24;
	v32 =	vadd.f32 v32, v27;
	v38 =	vld [tilespmem:s23+$0x8140]  }
0x7a: {  	v40 =	vld [tilespmem:s23+$0x8100];
	[tilespmem:s21+$0x100] =	vst v28;
	v28 =	vadd.f32 v29, v23;
	v29 =	vmul.f32 v30, v13;
	v30 =	vmul.f32 v37, v34  }
0x7b: {  	v34 =	vld [tilespmem:s23+$0x100];
	[tilespmem:s21+$0x140] =	vst v32;
	v32 =	vmul.f32 v33, v10;
	v33 =	vmul.f32 v35, v12  }
0x7c: {  	v35 =	vld [tilespmem:s23+$0x8120];
	[tilespmem:s21+$0x110] =	vst v28;
	v28 =	vadd.f32 v29, v18;
	v29 =	vmul.f32 v30, v11  }
0x7d: {  	v30 =	vld [tilespmem:s23+$0x110];
	[tilespmem:s21+$0x120] =	vst v31;
	v31 =	vadd.f32 v32, v19;
	v32 =	vadd.f32 v33, v21  }
0x7e: {  	v33 =	vld [tilespmem:s23+$0x120];
	[tilespmem:s21+$0x130] =	vst v28;
	v28 =	vadd.f32 v29, v20  }
0x7f: {  	v37 =	vld [tilespmem:s23+$0x130];
	[tilespmem:s21+$0x150] =	vst v31  }
0x80: {  	v29 =	vadd.f32 v40, v34;
	v34 =	vld [tilespmem:s23+$0x8130];
	[tilespmem:s21+$0x160] =	vst v28  }
0x81: {  	v40 =	vld [tilespmem:s23+$0x140];
	[tilespmem:s21+$0x170] =	vst v32;
	s21 =	smov.u32 s23  }
0x82: {  	v28 =	vadd.f32 v29, v4;
	v29 =	vadd.f32 v39, v30;
	v32 =	vld [tilespmem:s21+$0x150]  }
0x83: {  	v30 =	vadd.f32 v35, v33  }
0x84: {  	v33 =	vadd.f32 $0.0e+00, v28;
	v29 =	vadd.f32 v29, v5  }
0x85: {  	v35 =	vmul.f32 v28, v28;
	v31 =	vadd.f32 v30, v6;
	v30 =	vadd.f32 v34, v37;
	v34 =	vld [tilespmem:s21+$0x160]  }
0x86: {  	v33 =	vadd.f32 v29, v33;
	v37 =	vmul.f32 v29, v29;
	v38 =	vadd.f32 v38, v40;
	v39 =	vld [tilespmem:s21+$0x8160]  }
0x87: {  	v30 =	vadd.f32 v30, v7;
	v36 =	vadd.f32 v36, v32  }
0x88: {  	v35 =	vadd.f32 v37, v35;
	v33 =	vadd.f32 v31, v33;
	v37 =	vmul.f32 v31, v31  }
0x89: {  	v32 =	vadd.f32 v38, v8;
	v38 =	vld [tilespmem:s21+$0x170]  }
0x8a: {  	v40 =	vmul.f32 v30, v30;
	v35 =	vadd.f32 v37, v35;
	v37 =	vadd.f32 v30, v33;
	v41 =	vld [tilespmem:s21+$0x8170]  }
0x8b: {  	v33 =	vadd.f32 v36, v9;
	v34 =	vadd.f32 v39, v34  }
0x8c: {  	v35 =	vadd.f32 v40, v35;
	v36 =	vadd.f32 v32, v37;
	v37 =	vmul.f32 v32, v32  }
0x8d: {  	v34 =	vadd.f32 v34, v16  }
0x8e: {  	v35 =	vadd.f32 v37, v35;
	v36 =	vadd.f32 v33, v36;
	v37 =	vmul.f32 v33, v33  }
0x8f: {  	v38 =	vadd.f32 v41, v38  }
0x90: {  	v39 =	vmul.f32 v34, v34;
	v37 =	vadd.f32 v37, v35;
	v36 =	vadd.f32 v34, v36  }
0x91: {  	v35 =	vadd.f32 v38, v25  }
0x92: {  	v37 =	vadd.f32 v39, v37  }
0x93: {  	v36 =	vadd.f32 v35, v36;
	v38 =	vmul.f32 v35, v35;
	_ =	sdelay $0x1  }
0x94: {  	v37 =	vadd.f32 v38, v37;
	v38 =	vperm.xlane v36, v0;
	_ =	sdelay $0x1  }
0x95: {  	v36 =	vadd.f32 v36, v38;
	v38 =	vperm.xlane v37, v0;
	_ =	sdelay $0x1  }
0x96: {  	v39 =	vperm.xlane v36, v1;
	v37 =	vadd.f32 v38, v37;
	_ =	sdelay $0x1  }
0x97: {  	v36 =	vadd.f32 v36, v39;
	v38 =	vperm.xlane v37, v1;
	_ =	sdelay $0x1  }
0x98: {  	v39 =	vperm.xlane v36, v2;
	v37 =	vadd.f32 v38, v37;
	_ =	sdelay $0x1  }
0x99: {  	v36 =	vadd.f32 v36, v39;
	v38 =	vperm.xlane v37, v2;
	_ =	sdelay $0x1  }
.Ltmp0:
0x9a: {  	v39 =	vperm.xlane v36, v3;
	v37 =	vadd.f32 v38, v37;
	(pc) =	sbr.rel @p0 .LBB2_2-.Ltmp0, $3  }
0x9b: {  	_ = 	snop  }
0x9c: {  	v36 =	vadd.f32 v36, v39;
	v38 =	vperm.xlane v37, v3;
	_ =	sdelay $0x1  }
0x9d: {  	v36 =	vmul.f32 $7.812500000e-03, v36;
	v37 =	vadd.f32 v38, v37  }
0x9e: {  	_ = 	snop  }
0x9f: {  	v4 =	vmul.f32 $7.812500000e-03, v37;
	v5 =	vmul.f32 v36, v36;
	_ =	sdelay $0x1  }
0xa0: {  	v4 =	vsub.f32 v4, v5;
	_ =	sdelay $0x1  }
0xa1: {  	v4 =	vadd.f32 $9.999999960e-13, v4;
	_ =	sdelay $0x1  }
0xa2: {  	v5 =	vshra.s32 v4, $0x1;
	v4 =	vmul.f32 $5.000000000e-01, v4  }
0xa3: {  	v5 =	vsub.s32 $0x5F3759DF, v5  }
0xa4: {  	v6 =	vmul.f32 v5, v4;
	_ =	sdelay $0x1  }
0xa5: {  	v6 =	vmul.f32 v5, v6;
	_ =	sdelay $0x1  }
0xa6: {  	v6 =	vsub.f32 $1.500000000e+00, v6;
	_ =	sdelay $0x1  }
0xa7: {  	v5 =	vmul.f32 v5, v6;
	_ =	sdelay $0x1  }
0xa8: {  	v6 =	vmul.f32 v5, v4;
	_ =	sdelay $0x1  }
0xa9: {  	v6 =	vmul.f32 v6, v5;
	_ =	sdelay $0x1  }
0xaa: {  	v6 =	vsub.f32 $1.500000000e+00, v6;
	_ =	sdelay $0x1  }
0xab: {  	v5 =	vmul.f32 v6, v5;
	_ =	sdelay $0x1  }
0xac: {  	v4 =	vmul.f32 v5, v4;
	_ =	sdelay $0x1  }
0xad: {  	v4 =	vmul.f32 v4, v5;
	_ =	sdelay $0x1  }
0xae: {  	v4 =	vsub.f32 $1.500000000e+00, v4;
	_ =	sdelay $0x1  }
0xaf: {  	v4 =	vmul.f32 v4, v5;
	v5 =	vsub.f32 v28, v36  }
0xb0: {  	v55 =	vsub.f32 v31, v36;
	v7 =	vsub.f32 v32, v36  }
0xb1: {  	v8 =	vsub.f32 v29, v36;
	v9 =	vsub.f32 v33, v36;
	v5 =	vmul.f32 v4, v5  }
0xb2: {  	v16 =	vsub.f32 v30, v36;
	v6 =	vmul.f32 v4, v55;
	v7 =	vmul.f32 v4, v7  }
0xb3: {  	v56 =	vsub.f32 v34, v36;
	v8 =	vmul.f32 v4, v8;
	v5 =	vmul.f32 v5, v17  }
0xb4: {  	v58 =	vsub.f32 v35, v36;
	v9 =	vmul.f32 v4, v9;
	v7 =	vmul.f32 v7, v22  }
0xb5: {  	v57 =	vmul.f32 v4, v16;
	v6 =	vmul.f32 v6, v15;
	v5 =	vadd.f32 v5, v26  }
0xb6: {  	v60 =	vmul.f32 v4, v56;
	v8 =	vmul.f32 v8, v14;
	v7 =	vadd.f32 v7, v27  }
0xb7: {  	v4 =	vmul.f32 v4, v58;
	v61 =	vmul.f32 v9, v10;
	v6 =	vadd.f32 v6, v24;
	[tilespmem:s21+$0x100] =	vst v5  }
0xb8: {  	v59 =	vmul.f32 v57, v13;
	v5 =	vadd.f32 v8, v23;
	[tilespmem:s21+$0x140] =	vst v7  }
0xb9: {  	v4 =	vmul.f32 v4, v12;
	v63 =	vadd.f32 v61, v19;
	[tilespmem:s21+$0x120] =	vst v6  }
0xba: {  	v62 =	vmul.f32 v60, v11;
	[tilespmem:s21+$0x110] =	vst v5;
	v5 =	vadd.f32 v59, v18  }
0xbb: {  	v4 =	vadd.f32 v4, v21;
	[tilespmem:s21+$0x150] =	vst v63  }
0xbc: {  	s20 =	sadd.s32 $0x1, s20;
	[tilespmem:s21+$0x130] =	vst v5;
	v5 =	vadd.f32 v62, v20  }
0xbd: {  	p0 =	sne.s32 s20, s10;
	[tilespmem:s21+$0x170] =	vst v4  }
.Ltmp1:
0xbe: {  	[tilespmem:s21+$0x160] =	vst v5;
	(pc) =	sbr.rel @p0 .LBB2_1-.Ltmp1, $4  }
0xbf: {  	[hbm4b:s9+s5] =	stream.linear.scatter [tilespmem:s13], [sflag:$0x2], $0x8000, $0x38;
	[tilespmem:$0x10280] =	vst v63  }
0xc0: {  	_ =	swait.ge [sflag:s11], $0x8000  }
0xc1: {  	[sflag:s11] =	ssyncset.done $0x0  }
0xc2: {  	[sflag:s11] =	ssyncadd.s32 $0xFFFF8000  }
0xc3: {  	_ =	sfence.sel $0x180000  }
0xc4: {  	[bflag:$0x0] =	sbarrier.arrive $0xFFFF  }
0xc5: {  	p0 =	sne.s32 s6, $0x0;
	_ =	strace $0x90000047  }
0xc6: {  	s0 =	sadd.s32 @!p0 $0x100000, s1;
	[bflag:$0x2] =	sbarrier.arrive $0xFFFF  }
0xc7: {  	[sflag:s0] =	ssyncadd.tile.s32 @!p0 $0x1;
	_ =	shalt  }
.Lfunc_end2:
_tile_overlayer_lowered:
.L_overlay_start_2:
0xc8: {  	(tag) =	ssettag $0x2  }
0xc9: {  	s0 =	rddreg [dreg:$0x0];
	s2 =	stileid.u32  }
0xca: {  	s1 =	rddreg [dreg:$0x1];
	p0 =	sne.s32 s2, $0x0  }
0xcb: {  	s3 =	rddreg [dreg:$0x2];
	[bflag:$0x3] =	sbarrier.arrive $0xFFFF;
	s2 =	simm.s32 @!p0 $0x1C02  }
0xcc: {  	[timem:s3], [sflag:s2] =	dma.local @!p0 [hbm:s0], s1  }
0xcd: {  	s0 =	simm.s32 @!p0 $0x2  }
0xce: {  	_ =	swait.ge @!p0 [sflag:s0], s1  }
0xcf: {  	s1 =	ssub.s32 @!p0 $0x0, s1;
	[sflag:s0] =	ssyncset.done @!p0 $0x0  }
0xd0: {  	[sflag:s0] =	ssyncadd.s32 @!p0 s1  }
0xd1: {  	[bflag:$0x3] =	sbarrier.arrive $0xFFFF  }
0xd2: {  	_ =	shalt  }

</sc_bundles>
